<compile_context>
chip_gen: v7x
topology: tpu7x:2x2x1
jax: 0.10.2.dev20260603
libtpu: 0.0.44.dev20260713+nightly
codegen_flags: <defaults>
</compile_context>

<pallas_src>
import functools
import jax
import jax.numpy as jnp
from jax import lax
from jax.experimental import pallas as pl
from jax.experimental.pallas import tpu as pltpu
from jax.experimental.pallas import tpu_sc as plsc


def kernel(x, person_emb):
    B, T, P, D = x.shape
    R = 10
    NCH = T // R

    info = plsc.get_sparse_core_info()
    NC, NS = info.num_cores, info.num_subcores
    assert NC * NS == B

    mesh = plsc.VectorSubcoreMesh(core_axis_name="c", subcore_axis_name="s")

    @functools.partial(
        pl.kernel,
        mesh=mesh,
        out_type=jax.ShapeDtypeStruct((B, T, P, D), person_emb.dtype),
        scratch_types=[
            pltpu.VMEM((R, P, D), person_emb.dtype),
            pltpu.SemaphoreType.DMA,
        ],
        compiler_params=pltpu.CompilerParams(use_tc_tiling_on_sc=True),
    )
    def k(emb_hbm, out_hbm, buf, sem):
        w = lax.axis_index("s") * NC + lax.axis_index("c")
        fills = [pltpu.async_copy(emb_hbm, buf.at[i], sem) for i in range(R)]
        for f in fills:
            f.wait()
        streams = [
            pltpu.async_copy(buf, out_hbm.at[w, pl.ds(j * R, R)], sem)
            for j in range(NCH)
        ]
        for s in streams:
            s.wait()

    return k(person_emb)

# --- scband reference (transcript-rebuilt; emitter-appended) ---
"""Pipeline reference for scband-person-emb-60876866454134 (READ-ONLY COPY).

The authoritative reference and input builder live on the scoring server;
editing this copy changes nothing except your own understanding.
"""

import jax, jax.numpy as jnp
import numpy as np


def setup_inputs(seed: int = 0) -> dict:
    key = jax.random.key(seed)
    k1, k2 = jax.random.split(key)
    x = jax.random.normal(k1, (32, 200, 50, 64), dtype=jnp.float32)
    # nn.Embedding(person_num=50, dim=64) weight
    person_emb = jax.random.normal(k2, (50, 64), dtype=jnp.float32)
    return {"x": x, "person_emb": person_emb}


def reference(x, person_emb):
    # Faithful translation of PersonEmb.forward:
    # idx = arange(person_num) repeated over (batch, timesteps)
    batch, timesteps, person_num, _ = x.shape
    idx = jnp.broadcast_to(jnp.arange(person_num), (batch, timesteps, person_num))
    # embedding lookup -> [B, T, P, dim]
    return jnp.take(person_emb, idx, axis=0)

if __name__ == "__main__":
    import jax
    _d = setup_inputs()
    print(jax.jit(kernel)(*tuple(_d.values())))

</pallas_src>

<mosaic_0001>
#map = affine_map<(d0, d1) -> (0, 0)>
#map1 = affine_map<(d0, d1) -> (0, 0, 0, 0)>
module attributes {stable_mosaic.version = 14 : i64} {
  func.func @k(%arg0: i32, %arg1: i32, %arg2: memref<50x64xf32, #tpu.memory_space<hbm>>, %arg3: memref<32x200x50x64xf32, #tpu.memory_space<hbm>>, %arg4: memref<10x50x64xf32, #tpu.memory_space<vmem>>, %arg5: memref<!tpu.dma_semaphore, #tpu.memory_space<semaphore_mem>>) attributes {dimension_semantics = [#tpu.dimension_semantics<core_parallel>, #tpu.dimension_semantics<subcore_parallel>], iteration_bounds = array<i64: 2, 16>, scalar_prefetch = 0 : i64, scratch_operands = 2 : i64, tpu.core_type = #tpu.core_type<sc_vector_subcore>, window_params = [{transform_indices = #map}, {transform_indices = #map1}]} {
    %mul3A = arith.constant 2 : i32
    %mul3A_0 = arith.muli %arg1, %mul3A : i32
    %add3A = arith.addi %mul3A_0, %arg0 : i32
    %dma_start3A = arith.constant 0 : i32
    %dma_start3A_1 = arith.constant 0 : i32
    %dma_start3A_2 = arith.constant 0 : i32
    %dma_start3A_3 = tpu.memref_slice %arg4[%dma_start3A, %dma_start3A_1, %dma_start3A_2] : memref<10x50x64xf32, #tpu.memory_space<vmem>> -> memref<1x50x64xf32, #tpu.memory_space<vmem>>
    %dma_start3A_4 = tpu.memref_squeeze %dma_start3A_3 : memref<1x50x64xf32, #tpu.memory_space<vmem>> -> memref<50x64xf32, #tpu.memory_space<vmem>>
    %dma_start3A_5 = arith.constant 0 : i32
    %dma_start3A_6 = arith.constant 0 : i32
    %dma_start3A_7 = tpu.memref_slice %arg4[%dma_start3A, %dma_start3A_5, %dma_start3A_6] : memref<10x50x64xf32, #tpu.memory_space<vmem>> -> memref<1x50x64xf32, #tpu.memory_space<vmem>>
    %dma_start3A_8 = tpu.memref_squeeze %dma_start3A_7 : memref<1x50x64xf32, #tpu.memory_space<vmem>> -> memref<50x64xf32, #tpu.memory_space<vmem>>
    tpu.enqueue_dma source(%arg2 : memref<50x64xf32, #tpu.memory_space<hbm>>) target(%dma_start3A_8 : memref<50x64xf32, #tpu.memory_space<vmem>>) target_semaphore(%arg5 : memref<!tpu.dma_semaphore, #tpu.memory_space<semaphore_mem>>)
    %dma_start3A_9 = arith.constant 1 : i32
    %dma_start3A_10 = arith.constant 0 : i32
    %dma_start3A_11 = arith.constant 0 : i32
    %dma_start3A_12 = tpu.memref_slice %arg4[%dma_start3A_9, %dma_start3A_10, %dma_start3A_11] : memref<10x50x64xf32, #tpu.memory_space<vmem>> -> memref<1x50x64xf32, #tpu.memory_space<vmem>>
    %dma_start3A_13 = tpu.memref_squeeze %dma_start3A_12 : memref<1x50x64xf32, #tpu.memory_space<vmem>> -> memref<50x64xf32, #tpu.memory_space<vmem>>
    %dma_start3A_14 = arith.constant 0 : i32
    %dma_start3A_15 = arith.constant 0 : i32
    %dma_start3A_16 = tpu.memref_slice %arg4[%dma_start3A_9, %dma_start3A_14, %dma_start3A_15] : memref<10x50x64xf32, #tpu.memory_space<vmem>> -> memref<1x50x64xf32, #tpu.memory_space<vmem>>
    %dma_start3A_17 = tpu.memref_squeeze %dma_start3A_16 : memref<1x50x64xf32, #tpu.memory_space<vmem>> -> memref<50x64xf32, #tpu.memory_space<vmem>>
    tpu.enqueue_dma source(%arg2 : memref<50x64xf32, #tpu.memory_space<hbm>>) target(%dma_start3A_17 : memref<50x64xf32, #tpu.memory_space<vmem>>) target_semaphore(%arg5 : memref<!tpu.dma_semaphore, #tpu.memory_space<semaphore_mem>>)
    %dma_start3A_18 = arith.constant 2 : i32
    %dma_start3A_19 = arith.constant 0 : i32
    %dma_start3A_20 = arith.constant 0 : i32
    %dma_start3A_21 = tpu.memref_slice %arg4[%dma_start3A_18, %dma_start3A_19, %dma_start3A_20] : memref<10x50x64xf32, #tpu.memory_space<vmem>> -> memref<1x50x64xf32, #tpu.memory_space<vmem>>
    %dma_start3A_22 = tpu.memref_squeeze %dma_start3A_21 : memref<1x50x64xf32, #tpu.memory_space<vmem>> -> memref<50x64xf32, #tpu.memory_space<vmem>>
    %dma_start3A_23 = arith.constant 0 : i32
    %dma_start3A_24 = arith.constant 0 : i32
    %dma_start3A_25 = tpu.memref_slice %arg4[%dma_start3A_18, %dma_start3A_23, %dma_start3A_24] : memref<10x50x64xf32, #tpu.memory_space<vmem>> -> memref<1x50x64xf32, #tpu.memory_space<vmem>>
    %dma_start3A_26 = tpu.memref_squeeze %dma_start3A_25 : memref<1x50x64xf32, #tpu.memory_space<vmem>> -> memref<50x64xf32, #tpu.memory_space<vmem>>
    tpu.enqueue_dma source(%arg2 : memref<50x64xf32, #tpu.memory_space<hbm>>) target(%dma_start3A_26 : memref<50x64xf32, #tpu.memory_space<vmem>>) target_semaphore(%arg5 : memref<!tpu.dma_semaphore, #tpu.memory_space<semaphore_mem>>)
    %dma_start3A_27 = arith.constant 3 : i32
    %dma_start3A_28 = arith.constant 0 : i32
    %dma_start3A_29 = arith.constant 0 : i32
    %dma_start3A_30 = tpu.memref_slice %arg4[%dma_start3A_27, %dma_start3A_28, %dma_start3A_29] : memref<10x50x64xf32, #tpu.memory_space<vmem>> -> memref<1x50x64xf32, #tpu.memory_space<vmem>>
    %dma_start3A_31 = tpu.memref_squeeze %dma_start3A_30 : memref<1x50x64xf32, #tpu.memory_space<vmem>> -> memref<50x64xf32, #tpu.memory_space<vmem>>
    %dma_start3A_32 = arith.constant 0 : i32
    %dma_start3A_33 = arith.constant 0 : i32
    %dma_start3A_34 = tpu.memref_slice %arg4[%dma_start3A_27, %dma_start3A_32, %dma_start3A_33] : memref<10x50x64xf32, #tpu.memory_space<vmem>> -> memref<1x50x64xf32, #tpu.memory_space<vmem>>
    %dma_start3A_35 = tpu.memref_squeeze %dma_start3A_34 : memref<1x50x64xf32, #tpu.memory_space<vmem>> -> memref<50x64xf32, #tpu.memory_space<vmem>>
    tpu.enqueue_dma source(%arg2 : memref<50x64xf32, #tpu.memory_space<hbm>>) target(%dma_start3A_35 : memref<50x64xf32, #tpu.memory_space<vmem>>) target_semaphore(%arg5 : memref<!tpu.dma_semaphore, #tpu.memory_space<semaphore_mem>>)
    %dma_start3A_36 = arith.constant 4 : i32
    %dma_start3A_37 = arith.constant 0 : i32
    %dma_start3A_38 = arith.constant 0 : i32
    %dma_start3A_39 = tpu.memref_slice %arg4[%dma_start3A_36, %dma_start3A_37, %dma_start3A_38] : memref<10x50x64xf32, #tpu.memory_space<vmem>> -> memref<1x50x64xf32, #tpu.memory_space<vmem>>
    %dma_start3A_40 = tpu.memref_squeeze %dma_start3A_39 : memref<1x50x64xf32, #tpu.memory_space<vmem>> -> memref<50x64xf32, #tpu.memory_space<vmem>>
    %dma_start3A_41 = arith.constant 0 : i32
    %dma_start3A_42 = arith.constant 0 : i32
    %dma_start3A_43 = tpu.memref_slice %arg4[%dma_start3A_36, %dma_start3A_41, %dma_start3A_42] : memref<10x50x64xf32, #tpu.memory_space<vmem>> -> memref<1x50x64xf32, #tpu.memory_space<vmem>>
    %dma_start3A_44 = tpu.memref_squeeze %dma_start3A_43 : memref<1x50x64xf32, #tpu.memory_space<vmem>> -> memref<50x64xf32, #tpu.memory_space<vmem>>
    tpu.enqueue_dma source(%arg2 : memref<50x64xf32, #tpu.memory_space<hbm>>) target(%dma_start3A_44 : memref<50x64xf32, #tpu.memory_space<vmem>>) target_semaphore(%arg5 : memref<!tpu.dma_semaphore, #tpu.memory_space<semaphore_mem>>)
    %dma_start3A_45 = arith.constant 5 : i32
    %dma_start3A_46 = arith.constant 0 : i32
    %dma_start3A_47 = arith.constant 0 : i32
    %dma_start3A_48 = tpu.memref_slice %arg4[%dma_start3A_45, %dma_start3A_46, %dma_start3A_47] : memref<10x50x64xf32, #tpu.memory_space<vmem>> -> memref<1x50x64xf32, #tpu.memory_space<vmem>>
    %dma_start3A_49 = tpu.memref_squeeze %dma_start3A_48 : memref<1x50x64xf32, #tpu.memory_space<vmem>> -> memref<50x64xf32, #tpu.memory_space<vmem>>
    %dma_start3A_50 = arith.constant 0 : i32
    %dma_start3A_51 = arith.constant 0 : i32
    %dma_start3A_52 = tpu.memref_slice %arg4[%dma_start3A_45, %dma_start3A_50, %dma_start3A_51] : memref<10x50x64xf32, #tpu.memory_space<vmem>> -> memref<1x50x64xf32, #tpu.memory_space<vmem>>
    %dma_start3A_53 = tpu.memref_squeeze %dma_start3A_52 : memref<1x50x64xf32, #tpu.memory_space<vmem>> -> memref<50x64xf32, #tpu.memory_space<vmem>>
    tpu.enqueue_dma source(%arg2 : memref<50x64xf32, #tpu.memory_space<hbm>>) target(%dma_start3A_53 : memref<50x64xf32, #tpu.memory_space<vmem>>) target_semaphore(%arg5 : memref<!tpu.dma_semaphore, #tpu.memory_space<semaphore_mem>>)
    %dma_start3A_54 = arith.constant 6 : i32
    %dma_start3A_55 = arith.constant 0 : i32
    %dma_start3A_56 = arith.constant 0 : i32
    %dma_start3A_57 = tpu.memref_slice %arg4[%dma_start3A_54, %dma_start3A_55, %dma_start3A_56] : memref<10x50x64xf32, #tpu.memory_space<vmem>> -> memref<1x50x64xf32, #tpu.memory_space<vmem>>
    %dma_start3A_58 = tpu.memref_squeeze %dma_start3A_57 : memref<1x50x64xf32, #tpu.memory_space<vmem>> -> memref<50x64xf32, #tpu.memory_space<vmem>>
    %dma_start3A_59 = arith.constant 0 : i32
    %dma_start3A_60 = arith.constant 0 : i32
    %dma_start3A_61 = tpu.memref_slice %arg4[%dma_start3A_54, %dma_start3A_59, %dma_start3A_60] : memref<10x50x64xf32, #tpu.memory_space<vmem>> -> memref<1x50x64xf32, #tpu.memory_space<vmem>>
    %dma_start3A_62 = tpu.memref_squeeze %dma_start3A_61 : memref<1x50x64xf32, #tpu.memory_space<vmem>> -> memref<50x64xf32, #tpu.memory_space<vmem>>
    tpu.enqueue_dma source(%arg2 : memref<50x64xf32, #tpu.memory_space<hbm>>) target(%dma_start3A_62 : memref<50x64xf32, #tpu.memory_space<vmem>>) target_semaphore(%arg5 : memref<!tpu.dma_semaphore, #tpu.memory_space<semaphore_mem>>)
    %dma_start3A_63 = arith.constant 7 : i32
    %dma_start3A_64 = arith.constant 0 : i32
    %dma_start3A_65 = arith.constant 0 : i32
    %dma_start3A_66 = tpu.memref_slice %arg4[%dma_start3A_63, %dma_start3A_64, %dma_start3A_65] : memref<10x50x64xf32, #tpu.memory_space<vmem>> -> memref<1x50x64xf32, #tpu.memory_space<vmem>>
    %dma_start3A_67 = tpu.memref_squeeze %dma_start3A_66 : memref<1x50x64xf32, #tpu.memory_space<vmem>> -> memref<50x64xf32, #tpu.memory_space<vmem>>
    %dma_start3A_68 = arith.constant 0 : i32
    %dma_start3A_69 = arith.constant 0 : i32
    %dma_start3A_70 = tpu.memref_slice %arg4[%dma_start3A_63, %dma_start3A_68, %dma_start3A_69] : memref<10x50x64xf32, #tpu.memory_space<vmem>> -> memref<1x50x64xf32, #tpu.memory_space<vmem>>
    %dma_start3A_71 = tpu.memref_squeeze %dma_start3A_70 : memref<1x50x64xf32, #tpu.memory_space<vmem>> -> memref<50x64xf32, #tpu.memory_space<vmem>>
    tpu.enqueue_dma source(%arg2 : memref<50x64xf32, #tpu.memory_space<hbm>>) target(%dma_start3A_71 : memref<50x64xf32, #tpu.memory_space<vmem>>) target_semaphore(%arg5 : memref<!tpu.dma_semaphore, #tpu.memory_space<semaphore_mem>>)
    %dma_start3A_72 = arith.constant 8 : i32
    %dma_start3A_73 = arith.constant 0 : i32
    %dma_start3A_74 = arith.constant 0 : i32
    %dma_start3A_75 = tpu.memref_slice %arg4[%dma_start3A_72, %dma_start3A_73, %dma_start3A_74] : memref<10x50x64xf32, #tpu.memory_space<vmem>> -> memref<1x50x64xf32, #tpu.memory_space<vmem>>
    %dma_start3A_76 = tpu.memref_squeeze %dma_start3A_75 : memref<1x50x64xf32, #tpu.memory_space<vmem>> -> memref<50x64xf32, #tpu.memory_space<vmem>>
    %dma_start3A_77 = arith.constant 0 : i32
    %dma_start3A_78 = arith.constant 0 : i32
    %dma_start3A_79 = tpu.memref_slice %arg4[%dma_start3A_72, %dma_start3A_77, %dma_start3A_78] : memref<10x50x64xf32, #tpu.memory_space<vmem>> -> memref<1x50x64xf32, #tpu.memory_space<vmem>>
    %dma_start3A_80 = tpu.memref_squeeze %dma_start3A_79 : memref<1x50x64xf32, #tpu.memory_space<vmem>> -> memref<50x64xf32, #tpu.memory_space<vmem>>
    tpu.enqueue_dma source(%arg2 : memref<50x64xf32, #tpu.memory_space<hbm>>) target(%dma_start3A_80 : memref<50x64xf32, #tpu.memory_space<vmem>>) target_semaphore(%arg5 : memref<!tpu.dma_semaphore, #tpu.memory_space<semaphore_mem>>)
    %dma_start3A_81 = arith.constant 9 : i32
    %dma_start3A_82 = arith.constant 0 : i32
    %dma_start3A_83 = arith.constant 0 : i32
    %dma_start3A_84 = tpu.memref_slice %arg4[%dma_start3A_81, %dma_start3A_82, %dma_start3A_83] : memref<10x50x64xf32, #tpu.memory_space<vmem>> -> memref<1x50x64xf32, #tpu.memory_space<vmem>>
    %dma_start3A_85 = tpu.memref_squeeze %dma_start3A_84 : memref<1x50x64xf32, #tpu.memory_space<vmem>> -> memref<50x64xf32, #tpu.memory_space<vmem>>
    %dma_start3A_86 = arith.constant 0 : i32
    %dma_start3A_87 = arith.constant 0 : i32
    %dma_start3A_88 = tpu.memref_slice %arg4[%dma_start3A_81, %dma_start3A_86, %dma_start3A_87] : memref<10x50x64xf32, #tpu.memory_space<vmem>> -> memref<1x50x64xf32, #tpu.memory_space<vmem>>
    %dma_start3A_89 = tpu.memref_squeeze %dma_start3A_88 : memref<1x50x64xf32, #tpu.memory_space<vmem>> -> memref<50x64xf32, #tpu.memory_space<vmem>>
    tpu.enqueue_dma source(%arg2 : memref<50x64xf32, #tpu.memory_space<hbm>>) target(%dma_start3A_89 : memref<50x64xf32, #tpu.memory_space<vmem>>) target_semaphore(%arg5 : memref<!tpu.dma_semaphore, #tpu.memory_space<semaphore_mem>>)
    %dma_wait3A = arith.constant 0 : i32
    %dma_wait3A_90 = arith.constant 0 : i32
    %dma_wait3A_91 = arith.constant 0 : i32
    %dma_wait3A_92 = tpu.memref_slice %arg4[%dma_wait3A, %dma_wait3A_90, %dma_wait3A_91] : memref<10x50x64xf32, #tpu.memory_space<vmem>> -> memref<1x50x64xf32, #tpu.memory_space<vmem>>
    %dma_wait3A_93 = tpu.memref_squeeze %dma_wait3A_92 : memref<1x50x64xf32, #tpu.memory_space<vmem>> -> memref<50x64xf32, #tpu.memory_space<vmem>>
    %dma_wait3A_94 = arith.constant 0 : i32
    %dma_wait3A_95 = arith.constant 0 : i32
    %dma_wait3A_96 = tpu.memref_slice %arg4[%dma_wait3A, %dma_wait3A_94, %dma_wait3A_95] : memref<10x50x64xf32, #tpu.memory_space<vmem>> -> memref<1x50x64xf32, #tpu.memory_space<vmem>>
    %dma_wait3A_97 = tpu.memref_squeeze %dma_wait3A_96 : memref<1x50x64xf32, #tpu.memory_space<vmem>> -> memref<50x64xf32, #tpu.memory_space<vmem>>
    tpu.wait_dma2 semaphore(%arg5 : memref<!tpu.dma_semaphore, #tpu.memory_space<semaphore_mem>>) src(%arg2 : memref<50x64xf32, #tpu.memory_space<hbm>>) dst(%dma_wait3A_97 : memref<50x64xf32, #tpu.memory_space<vmem>>)
    %dma_wait3A_98 = arith.constant 1 : i32
    %dma_wait3A_99 = arith.constant 0 : i32
    %dma_wait3A_100 = arith.constant 0 : i32
    %dma_wait3A_101 = tpu.memref_slice %arg4[%dma_wait3A_98, %dma_wait3A_99, %dma_wait3A_100] : memref<10x50x64xf32, #tpu.memory_space<vmem>> -> memref<1x50x64xf32, #tpu.memory_space<vmem>>
    %dma_wait3A_102 = tpu.memref_squeeze %dma_wait3A_101 : memref<1x50x64xf32, #tpu.memory_space<vmem>> -> memref<50x64xf32, #tpu.memory_space<vmem>>
    %dma_wait3A_103 = arith.constant 0 : i32
    %dma_wait3A_104 = arith.constant 0 : i32
    %dma_wait3A_105 = tpu.memref_slice %arg4[%dma_wait3A_98, %dma_wait3A_103, %dma_wait3A_104] : memref<10x50x64xf32, #tpu.memory_space<vmem>> -> memref<1x50x64xf32, #tpu.memory_space<vmem>>
    %dma_wait3A_106 = tpu.memref_squeeze %dma_wait3A_105 : memref<1x50x64xf32, #tpu.memory_space<vmem>> -> memref<50x64xf32, #tpu.memory_space<vmem>>
    tpu.wait_dma2 semaphore(%arg5 : memref<!tpu.dma_semaphore, #tpu.memory_space<semaphore_mem>>) src(%arg2 : memref<50x64xf32, #tpu.memory_space<hbm>>) dst(%dma_wait3A_106 : memref<50x64xf32, #tpu.memory_space<vmem>>)
    %dma_wait3A_107 = arith.constant 2 : i32
    %dma_wait3A_108 = arith.constant 0 : i32
    %dma_wait3A_109 = arith.constant 0 : i32
    %dma_wait3A_110 = tpu.memref_slice %arg4[%dma_wait3A_107, %dma_wait3A_108, %dma_wait3A_109] : memref<10x50x64xf32, #tpu.memory_space<vmem>> -> memref<1x50x64xf32, #tpu.memory_space<vmem>>
    %dma_wait3A_111 = tpu.memref_squeeze %dma_wait3A_110 : memref<1x50x64xf32, #tpu.memory_space<vmem>> -> memref<50x64xf32, #tpu.memory_space<vmem>>
    %dma_wait3A_112 = arith.constant 0 : i32
    %dma_wait3A_113 = arith.constant 0 : i32
    %dma_wait3A_114 = tpu.memref_slice %arg4[%dma_wait3A_107, %dma_wait3A_112, %dma_wait3A_113] : memref<10x50x64xf32, #tpu.memory_space<vmem>> -> memref<1x50x64xf32, #tpu.memory_space<vmem>>
    %dma_wait3A_115 = tpu.memref_squeeze %dma_wait3A_114 : memref<1x50x64xf32, #tpu.memory_space<vmem>> -> memref<50x64xf32, #tpu.memory_space<vmem>>
    tpu.wait_dma2 semaphore(%arg5 : memref<!tpu.dma_semaphore, #tpu.memory_space<semaphore_mem>>) src(%arg2 : memref<50x64xf32, #tpu.memory_space<hbm>>) dst(%dma_wait3A_115 : memref<50x64xf32, #tpu.memory_space<vmem>>)
    %dma_wait3A_116 = arith.constant 3 : i32
    %dma_wait3A_117 = arith.constant 0 : i32
    %dma_wait3A_118 = arith.constant 0 : i32
    %dma_wait3A_119 = tpu.memref_slice %arg4[%dma_wait3A_116, %dma_wait3A_117, %dma_wait3A_118] : memref<10x50x64xf32, #tpu.memory_space<vmem>> -> memref<1x50x64xf32, #tpu.memory_space<vmem>>
    %dma_wait3A_120 = tpu.memref_squeeze %dma_wait3A_119 : memref<1x50x64xf32, #tpu.memory_space<vmem>> -> memref<50x64xf32, #tpu.memory_space<vmem>>
    %dma_wait3A_121 = arith.constant 0 : i32
    %dma_wait3A_122 = arith.constant 0 : i32
    %dma_wait3A_123 = tpu.memref_slice %arg4[%dma_wait3A_116, %dma_wait3A_121, %dma_wait3A_122] : memref<10x50x64xf32, #tpu.memory_space<vmem>> -> memref<1x50x64xf32, #tpu.memory_space<vmem>>
    %dma_wait3A_124 = tpu.memref_squeeze %dma_wait3A_123 : memref<1x50x64xf32, #tpu.memory_space<vmem>> -> memref<50x64xf32, #tpu.memory_space<vmem>>
    tpu.wait_dma2 semaphore(%arg5 : memref<!tpu.dma_semaphore, #tpu.memory_space<semaphore_mem>>) src(%arg2 : memref<50x64xf32, #tpu.memory_space<hbm>>) dst(%dma_wait3A_124 : memref<50x64xf32, #tpu.memory_space<vmem>>)
    %dma_wait3A_125 = arith.constant 4 : i32
    %dma_wait3A_126 = arith.constant 0 : i32
    %dma_wait3A_127 = arith.constant 0 : i32
    %dma_wait3A_128 = tpu.memref_slice %arg4[%dma_wait3A_125, %dma_wait3A_126, %dma_wait3A_127] : memref<10x50x64xf32, #tpu.memory_space<vmem>> -> memref<1x50x64xf32, #tpu.memory_space<vmem>>
    %dma_wait3A_129 = tpu.memref_squeeze %dma_wait3A_128 : memref<1x50x64xf32, #tpu.memory_space<vmem>> -> memref<50x64xf32, #tpu.memory_space<vmem>>
    %dma_wait3A_130 = arith.constant 0 : i32
    %dma_wait3A_131 = arith.constant 0 : i32
    %dma_wait3A_132 = tpu.memref_slice %arg4[%dma_wait3A_125, %dma_wait3A_130, %dma_wait3A_131] : memref<10x50x64xf32, #tpu.memory_space<vmem>> -> memref<1x50x64xf32, #tpu.memory_space<vmem>>
    %dma_wait3A_133 = tpu.memref_squeeze %dma_wait3A_132 : memref<1x50x64xf32, #tpu.memory_space<vmem>> -> memref<50x64xf32, #tpu.memory_space<vmem>>
    tpu.wait_dma2 semaphore(%arg5 : memref<!tpu.dma_semaphore, #tpu.memory_space<semaphore_mem>>) src(%arg2 : memref<50x64xf32, #tpu.memory_space<hbm>>) dst(%dma_wait3A_133 : memref<50x64xf32, #tpu.memory_space<vmem>>)
    %dma_wait3A_134 = arith.constant 5 : i32
    %dma_wait3A_135 = arith.constant 0 : i32
    %dma_wait3A_136 = arith.constant 0 : i32
    %dma_wait3A_137 = tpu.memref_slice %arg4[%dma_wait3A_134, %dma_wait3A_135, %dma_wait3A_136] : memref<10x50x64xf32, #tpu.memory_space<vmem>> -> memref<1x50x64xf32, #tpu.memory_space<vmem>>
    %dma_wait3A_138 = tpu.memref_squeeze %dma_wait3A_137 : memref<1x50x64xf32, #tpu.memory_space<vmem>> -> memref<50x64xf32, #tpu.memory_space<vmem>>
    %dma_wait3A_139 = arith.constant 0 : i32
    %dma_wait3A_140 = arith.constant 0 : i32
    %dma_wait3A_141 = tpu.memref_slice %arg4[%dma_wait3A_134, %dma_wait3A_139, %dma_wait3A_140] : memref<10x50x64xf32, #tpu.memory_space<vmem>> -> memref<1x50x64xf32, #tpu.memory_space<vmem>>
    %dma_wait3A_142 = tpu.memref_squeeze %dma_wait3A_141 : memref<1x50x64xf32, #tpu.memory_space<vmem>> -> memref<50x64xf32, #tpu.memory_space<vmem>>
    tpu.wait_dma2 semaphore(%arg5 : memref<!tpu.dma_semaphore, #tpu.memory_space<semaphore_mem>>) src(%arg2 : memref<50x64xf32, #tpu.memory_space<hbm>>) dst(%dma_wait3A_142 : memref<50x64xf32, #tpu.memory_space<vmem>>)
    %dma_wait3A_143 = arith.constant 6 : i32
    %dma_wait3A_144 = arith.constant 0 : i32
    %dma_wait3A_145 = arith.constant 0 : i32
    %dma_wait3A_146 = tpu.memref_slice %arg4[%dma_wait3A_143, %dma_wait3A_144, %dma_wait3A_145] : memref<10x50x64xf32, #tpu.memory_space<vmem>> -> memref<1x50x64xf32, #tpu.memory_space<vmem>>
    %dma_wait3A_147 = tpu.memref_squeeze %dma_wait3A_146 : memref<1x50x64xf32, #tpu.memory_space<vmem>> -> memref<50x64xf32, #tpu.memory_space<vmem>>
    %dma_wait3A_148 = arith.constant 0 : i32
    %dma_wait3A_149 = arith.constant 0 : i32
    %dma_wait3A_150 = tpu.memref_slice %arg4[%dma_wait3A_143, %dma_wait3A_148, %dma_wait3A_149] : memref<10x50x64xf32, #tpu.memory_space<vmem>> -> memref<1x50x64xf32, #tpu.memory_space<vmem>>
    %dma_wait3A_151 = tpu.memref_squeeze %dma_wait3A_150 : memref<1x50x64xf32, #tpu.memory_space<vmem>> -> memref<50x64xf32, #tpu.memory_space<vmem>>
    tpu.wait_dma2 semaphore(%arg5 : memref<!tpu.dma_semaphore, #tpu.memory_space<semaphore_mem>>) src(%arg2 : memref<50x64xf32, #tpu.memory_space<hbm>>) dst(%dma_wait3A_151 : memref<50x64xf32, #tpu.memory_space<vmem>>)
    %dma_wait3A_152 = arith.constant 7 : i32
    %dma_wait3A_153 = arith.constant 0 : i32
    %dma_wait3A_154 = arith.constant 0 : i32
    %dma_wait3A_155 = tpu.memref_slice %arg4[%dma_wait3A_152, %dma_wait3A_153, %dma_wait3A_154] : memref<10x50x64xf32, #tpu.memory_space<vmem>> -> memref<1x50x64xf32, #tpu.memory_space<vmem>>
    %dma_wait3A_156 = tpu.memref_squeeze %dma_wait3A_155 : memref<1x50x64xf32, #tpu.memory_space<vmem>> -> memref<50x64xf32, #tpu.memory_space<vmem>>
    %dma_wait3A_157 = arith.constant 0 : i32
    %dma_wait3A_158 = arith.constant 0 : i32
    %dma_wait3A_159 = tpu.memref_slice %arg4[%dma_wait3A_152, %dma_wait3A_157, %dma_wait3A_158] : memref<10x50x64xf32, #tpu.memory_space<vmem>> -> memref<1x50x64xf32, #tpu.memory_space<vmem>>
    %dma_wait3A_160 = tpu.memref_squeeze %dma_wait3A_159 : memref<1x50x64xf32, #tpu.memory_space<vmem>> -> memref<50x64xf32, #tpu.memory_space<vmem>>
    tpu.wait_dma2 semaphore(%arg5 : memref<!tpu.dma_semaphore, #tpu.memory_space<semaphore_mem>>) src(%arg2 : memref<50x64xf32, #tpu.memory_space<hbm>>) dst(%dma_wait3A_160 : memref<50x64xf32, #tpu.memory_space<vmem>>)
    %dma_wait3A_161 = arith.constant 8 : i32
    %dma_wait3A_162 = arith.constant 0 : i32
    %dma_wait3A_163 = arith.constant 0 : i32
    %dma_wait3A_164 = tpu.memref_slice %arg4[%dma_wait3A_161, %dma_wait3A_162, %dma_wait3A_163] : memref<10x50x64xf32, #tpu.memory_space<vmem>> -> memref<1x50x64xf32, #tpu.memory_space<vmem>>
    %dma_wait3A_165 = tpu.memref_squeeze %dma_wait3A_164 : memref<1x50x64xf32, #tpu.memory_space<vmem>> -> memref<50x64xf32, #tpu.memory_space<vmem>>
    %dma_wait3A_166 = arith.constant 0 : i32
    %dma_wait3A_167 = arith.constant 0 : i32
    %dma_wait3A_168 = tpu.memref_slice %arg4[%dma_wait3A_161, %dma_wait3A_166, %dma_wait3A_167] : memref<10x50x64xf32, #tpu.memory_space<vmem>> -> memref<1x50x64xf32, #tpu.memory_space<vmem>>
    %dma_wait3A_169 = tpu.memref_squeeze %dma_wait3A_168 : memref<1x50x64xf32, #tpu.memory_space<vmem>> -> memref<50x64xf32, #tpu.memory_space<vmem>>
    tpu.wait_dma2 semaphore(%arg5 : memref<!tpu.dma_semaphore, #tpu.memory_space<semaphore_mem>>) src(%arg2 : memref<50x64xf32, #tpu.memory_space<hbm>>) dst(%dma_wait3A_169 : memref<50x64xf32, #tpu.memory_space<vmem>>)
    %dma_wait3A_170 = arith.constant 9 : i32
    %dma_wait3A_171 = arith.constant 0 : i32
    %dma_wait3A_172 = arith.constant 0 : i32
    %dma_wait3A_173 = tpu.memref_slice %arg4[%dma_wait3A_170, %dma_wait3A_171, %dma_wait3A_172] : memref<10x50x64xf32, #tpu.memory_space<vmem>> -> memref<1x50x64xf32, #tpu.memory_space<vmem>>
    %dma_wait3A_174 = tpu.memref_squeeze %dma_wait3A_173 : memref<1x50x64xf32, #tpu.memory_space<vmem>> -> memref<50x64xf32, #tpu.memory_space<vmem>>
    %dma_wait3A_175 = arith.constant 0 : i32
    %dma_wait3A_176 = arith.constant 0 : i32
    %dma_wait3A_177 = tpu.memref_slice %arg4[%dma_wait3A_170, %dma_wait3A_175, %dma_wait3A_176] : memref<10x50x64xf32, #tpu.memory_space<vmem>> -> memref<1x50x64xf32, #tpu.memory_space<vmem>>
    %dma_wait3A_178 = tpu.memref_squeeze %dma_wait3A_177 : memref<1x50x64xf32, #tpu.memory_space<vmem>> -> memref<50x64xf32, #tpu.memory_space<vmem>>
    tpu.wait_dma2 semaphore(%arg5 : memref<!tpu.dma_semaphore, #tpu.memory_space<semaphore_mem>>) src(%arg2 : memref<50x64xf32, #tpu.memory_space<hbm>>) dst(%dma_wait3A_178 : memref<50x64xf32, #tpu.memory_space<vmem>>)
    %dma_start3A_179 = arith.constant 0 : i32
    %dma_start3A_180 = arith.constant 0 : i32
    %dma_start3A_181 = arith.constant 0 : i32
    %dma_start3A_182 = tpu.memref_slice %arg3[%add3A, %dma_start3A_179, %dma_start3A_180, %dma_start3A_181] : memref<32x200x50x64xf32, #tpu.memory_space<hbm>> -> memref<1x10x50x64xf32, #tpu.memory_space<hbm>>
    %dma_start3A_183 = tpu.memref_squeeze %dma_start3A_182 : memref<1x10x50x64xf32, #tpu.memory_space<hbm>> -> memref<10x50x64xf32, #tpu.memory_space<hbm>>
    %dma_start3A_184 = arith.constant 0 : i32
    %dma_start3A_185 = arith.constant 0 : i32
    %dma_start3A_186 = arith.constant 0 : i32
    %dma_start3A_187 = tpu.memref_slice %arg3[%add3A, %dma_start3A_184, %dma_start3A_185, %dma_start3A_186] : memref<32x200x50x64xf32, #tpu.memory_space<hbm>> -> memref<1x10x50x64xf32, #tpu.memory_space<hbm>>
    %dma_start3A_188 = tpu.memref_squeeze %dma_start3A_187 : memref<1x10x50x64xf32, #tpu.memory_space<hbm>> -> memref<10x50x64xf32, #tpu.memory_space<hbm>>
    tpu.enqueue_dma source(%arg4 : memref<10x50x64xf32, #tpu.memory_space<vmem>>) target(%dma_start3A_188 : memref<10x50x64xf32, #tpu.memory_space<hbm>>) target_semaphore(%arg5 : memref<!tpu.dma_semaphore, #tpu.memory_space<semaphore_mem>>)
    %dma_start3A_189 = arith.constant 10 : i32
    %dma_start3A_190 = arith.constant 0 : i32
    %dma_start3A_191 = arith.constant 0 : i32
    %dma_start3A_192 = tpu.memref_slice %arg3[%add3A, %dma_start3A_189, %dma_start3A_190, %dma_start3A_191] : memref<32x200x50x64xf32, #tpu.memory_space<hbm>> -> memref<1x10x50x64xf32, #tpu.memory_space<hbm>>
    %dma_start3A_193 = tpu.memref_squeeze %dma_start3A_192 : memref<1x10x50x64xf32, #tpu.memory_space<hbm>> -> memref<10x50x64xf32, #tpu.memory_space<hbm>>
    %dma_start3A_194 = arith.constant 10 : i32
    %dma_start3A_195 = arith.constant 0 : i32
    %dma_start3A_196 = arith.constant 0 : i32
    %dma_start3A_197 = tpu.memref_slice %arg3[%add3A, %dma_start3A_194, %dma_start3A_195, %dma_start3A_196] : memref<32x200x50x64xf32, #tpu.memory_space<hbm>> -> memref<1x10x50x64xf32, #tpu.memory_space<hbm>>
    %dma_start3A_198 = tpu.memref_squeeze %dma_start3A_197 : memref<1x10x50x64xf32, #tpu.memory_space<hbm>> -> memref<10x50x64xf32, #tpu.memory_space<hbm>>
    tpu.enqueue_dma source(%arg4 : memref<10x50x64xf32, #tpu.memory_space<vmem>>) target(%dma_start3A_198 : memref<10x50x64xf32, #tpu.memory_space<hbm>>) target_semaphore(%arg5 : memref<!tpu.dma_semaphore, #tpu.memory_space<semaphore_mem>>)
    %dma_start3A_199 = arith.constant 20 : i32
    %dma_start3A_200 = arith.constant 0 : i32
    %dma_start3A_201 = arith.constant 0 : i32
    %dma_start3A_202 = tpu.memref_slice %arg3[%add3A, %dma_start3A_199, %dma_start3A_200, %dma_start3A_201] : memref<32x200x50x64xf32, #tpu.memory_space<hbm>> -> memref<1x10x50x64xf32, #tpu.memory_space<hbm>>
    %dma_start3A_203 = tpu.memref_squeeze %dma_start3A_202 : memref<1x10x50x64xf32, #tpu.memory_space<hbm>> -> memref<10x50x64xf32, #tpu.memory_space<hbm>>
    %dma_start3A_204 = arith.constant 20 : i32
    %dma_start3A_205 = arith.constant 0 : i32
    %dma_start3A_206 = arith.constant 0 : i32
    %dma_start3A_207 = tpu.memref_slice %arg3[%add3A, %dma_start3A_204, %dma_start3A_205, %dma_start3A_206] : memref<32x200x50x64xf32, #tpu.memory_space<hbm>> -> memref<1x10x50x64xf32, #tpu.memory_space<hbm>>
    %dma_start3A_208 = tpu.memref_squeeze %dma_start3A_207 : memref<1x10x50x64xf32, #tpu.memory_space<hbm>> -> memref<10x50x64xf32, #tpu.memory_space<hbm>>
    tpu.enqueue_dma source(%arg4 : memref<10x50x64xf32, #tpu.memory_space<vmem>>) target(%dma_start3A_208 : memref<10x50x64xf32, #tpu.memory_space<hbm>>) target_semaphore(%arg5 : memref<!tpu.dma_semaphore, #tpu.memory_space<semaphore_mem>>)
    %dma_start3A_209 = arith.constant 30 : i32
    %dma_start3A_210 = arith.constant 0 : i32
    %dma_start3A_211 = arith.constant 0 : i32
    %dma_start3A_212 = tpu.memref_slice %arg3[%add3A, %dma_start3A_209, %dma_start3A_210, %dma_start3A_211] : memref<32x200x50x64xf32, #tpu.memory_space<hbm>> -> memref<1x10x50x64xf32, #tpu.memory_space<hbm>>
    %dma_start3A_213 = tpu.memref_squeeze %dma_start3A_212 : memref<1x10x50x64xf32, #tpu.memory_space<hbm>> -> memref<10x50x64xf32, #tpu.memory_space<hbm>>
    %dma_start3A_214 = arith.constant 30 : i32
    %dma_start3A_215 = arith.constant 0 : i32
    %dma_start3A_216 = arith.constant 0 : i32
    %dma_start3A_217 = tpu.memref_slice %arg3[%add3A, %dma_start3A_214, %dma_start3A_215, %dma_start3A_216] : memref<32x200x50x64xf32, #tpu.memory_space<hbm>> -> memref<1x10x50x64xf32, #tpu.memory_space<hbm>>
    %dma_start3A_218 = tpu.memref_squeeze %dma_start3A_217 : memref<1x10x50x64xf32, #tpu.memory_space<hbm>> -> memref<10x50x64xf32, #tpu.memory_space<hbm>>
    tpu.enqueue_dma source(%arg4 : memref<10x50x64xf32, #tpu.memory_space<vmem>>) target(%dma_start3A_218 : memref<10x50x64xf32, #tpu.memory_space<hbm>>) target_semaphore(%arg5 : memref<!tpu.dma_semaphore, #tpu.memory_space<semaphore_mem>>)
    %dma_start3A_219 = arith.constant 40 : i32
    %dma_start3A_220 = arith.constant 0 : i32
    %dma_start3A_221 = arith.constant 0 : i32
    %dma_start3A_222 = tpu.memref_slice %arg3[%add3A, %dma_start3A_219, %dma_start3A_220, %dma_start3A_221] : memref<32x200x50x64xf32, #tpu.memory_space<hbm>> -> memref<1x10x50x64xf32, #tpu.memory_space<hbm>>
    %dma_start3A_223 = tpu.memref_squeeze %dma_start3A_222 : memref<1x10x50x64xf32, #tpu.memory_space<hbm>> -> memref<10x50x64xf32, #tpu.memory_space<hbm>>
    %dma_start3A_224 = arith.constant 40 : i32
    %dma_start3A_225 = arith.constant 0 : i32
    %dma_start3A_226 = arith.constant 0 : i32
    %dma_start3A_227 = tpu.memref_slice %arg3[%add3A, %dma_start3A_224, %dma_start3A_225, %dma_start3A_226] : memref<32x200x50x64xf32, #tpu.memory_space<hbm>> -> memref<1x10x50x64xf32, #tpu.memory_space<hbm>>
    %dma_start3A_228 = tpu.memref_squeeze %dma_start3A_227 : memref<1x10x50x64xf32, #tpu.memory_space<hbm>> -> memref<10x50x64xf32, #tpu.memory_space<hbm>>
    tpu.enqueue_dma source(%arg4 : memref<10x50x64xf32, #tpu.memory_space<vmem>>) target(%dma_start3A_228 : memref<10x50x64xf32, #tpu.memory_space<hbm>>) target_semaphore(%arg5 : memref<!tpu.dma_semaphore, #tpu.memory_space<semaphore_mem>>)
    %dma_start3A_229 = arith.constant 50 : i32
    %dma_start3A_230 = arith.constant 0 : i32
    %dma_start3A_231 = arith.constant 0 : i32
    %dma_start3A_232 = tpu.memref_slice %arg3[%add3A, %dma_start3A_229, %dma_start3A_230, %dma_start3A_231] : memref<32x200x50x64xf32, #tpu.memory_space<hbm>> -> memref<1x10x50x64xf32, #tpu.memory_space<hbm>>
    %dma_start3A_233 = tpu.memref_squeeze %dma_start3A_232 : memref<1x10x50x64xf32, #tpu.memory_space<hbm>> -> memref<10x50x64xf32, #tpu.memory_space<hbm>>
    %dma_start3A_234 = arith.constant 50 : i32
    %dma_start3A_235 = arith.constant 0 : i32
    %dma_start3A_236 = arith.constant 0 : i32
    %dma_start3A_237 = tpu.memref_slice %arg3[%add3A, %dma_start3A_234, %dma_start3A_235, %dma_start3A_236] : memref<32x200x50x64xf32, #tpu.memory_space<hbm>> -> memref<1x10x50x64xf32, #tpu.memory_space<hbm>>
    %dma_start3A_238 = tpu.memref_squeeze %dma_start3A_237 : memref<1x10x50x64xf32, #tpu.memory_space<hbm>> -> memref<10x50x64xf32, #tpu.memory_space<hbm>>
    tpu.enqueue_dma source(%arg4 : memref<10x50x64xf32, #tpu.memory_space<vmem>>) target(%dma_start3A_238 : memref<10x50x64xf32, #tpu.memory_space<hbm>>) target_semaphore(%arg5 : memref<!tpu.dma_semaphore, #tpu.memory_space<semaphore_mem>>)
    %dma_start3A_239 = arith.constant 60 : i32
    %dma_start3A_240 = arith.constant 0 : i32
    %dma_start3A_241 = arith.constant 0 : i32
    %dma_start3A_242 = tpu.memref_slice %arg3[%add3A, %dma_start3A_239, %dma_start3A_240, %dma_start3A_241] : memref<32x200x50x64xf32, #tpu.memory_space<hbm>> -> memref<1x10x50x64xf32, #tpu.memory_space<hbm>>
    %dma_start3A_243 = tpu.memref_squeeze %dma_start3A_242 : memref<1x10x50x64xf32, #tpu.memory_space<hbm>> -> memref<10x50x64xf32, #tpu.memory_space<hbm>>
    %dma_start3A_244 = arith.constant 60 : i32
    %dma_start3A_245 = arith.constant 0 : i32
    %dma_start3A_246 = arith.constant 0 : i32
    %dma_start3A_247 = tpu.memref_slice %arg3[%add3A, %dma_start3A_244, %dma_start3A_245, %dma_start3A_246] : memref<32x200x50x64xf32, #tpu.memory_space<hbm>> -> memref<1x10x50x64xf32, #tpu.memory_space<hbm>>
    %dma_start3A_248 = tpu.memref_squeeze %dma_start3A_247 : memref<1x10x50x64xf32, #tpu.memory_space<hbm>> -> memref<10x50x64xf32, #tpu.memory_space<hbm>>
    tpu.enqueue_dma source(%arg4 : memref<10x50x64xf32, #tpu.memory_space<vmem>>) target(%dma_start3A_248 : memref<10x50x64xf32, #tpu.memory_space<hbm>>) target_semaphore(%arg5 : memref<!tpu.dma_semaphore, #tpu.memory_space<semaphore_mem>>)
    %dma_start3A_249 = arith.constant 70 : i32
    %dma_start3A_250 = arith.constant 0 : i32
    %dma_start3A_251 = arith.constant 0 : i32
    %dma_start3A_252 = tpu.memref_slice %arg3[%add3A, %dma_start3A_249, %dma_start3A_250, %dma_start3A_251] : memref<32x200x50x64xf32, #tpu.memory_space<hbm>> -> memref<1x10x50x64xf32, #tpu.memory_space<hbm>>
    %dma_start3A_253 = tpu.memref_squeeze %dma_start3A_252 : memref<1x10x50x64xf32, #tpu.memory_space<hbm>> -> memref<10x50x64xf32, #tpu.memory_space<hbm>>
    %dma_start3A_254 = arith.constant 70 : i32
    %dma_start3A_255 = arith.constant 0 : i32
    %dma_start3A_256 = arith.constant 0 : i32
    %dma_start3A_257 = tpu.memref_slice %arg3[%add3A, %dma_start3A_254, %dma_start3A_255, %dma_start3A_256] : memref<32x200x50x64xf32, #tpu.memory_space<hbm>> -> memref<1x10x50x64xf32, #tpu.memory_space<hbm>>
    %dma_start3A_258 = tpu.memref_squeeze %dma_start3A_257 : memref<1x10x50x64xf32, #tpu.memory_space<hbm>> -> memref<10x50x64xf32, #tpu.memory_space<hbm>>
    tpu.enqueue_dma source(%arg4 : memref<10x50x64xf32, #tpu.memory_space<vmem>>) target(%dma_start3A_258 : memref<10x50x64xf32, #tpu.memory_space<hbm>>) target_semaphore(%arg5 : memref<!tpu.dma_semaphore, #tpu.memory_space<semaphore_mem>>)
    %dma_start3A_259 = arith.constant 80 : i32
    %dma_start3A_260 = arith.constant 0 : i32
    %dma_start3A_261 = arith.constant 0 : i32
    %dma_start3A_262 = tpu.memref_slice %arg3[%add3A, %dma_start3A_259, %dma_start3A_260, %dma_start3A_261] : memref<32x200x50x64xf32, #tpu.memory_space<hbm>> -> memref<1x10x50x64xf32, #tpu.memory_space<hbm>>
    %dma_start3A_263 = tpu.memref_squeeze %dma_start3A_262 : memref<1x10x50x64xf32, #tpu.memory_space<hbm>> -> memref<10x50x64xf32, #tpu.memory_space<hbm>>
    %dma_start3A_264 = arith.constant 80 : i32
    %dma_start3A_265 = arith.constant 0 : i32
    %dma_start3A_266 = arith.constant 0 : i32
    %dma_start3A_267 = tpu.memref_slice %arg3[%add3A, %dma_start3A_264, %dma_start3A_265, %dma_start3A_266] : memref<32x200x50x64xf32, #tpu.memory_space<hbm>> -> memref<1x10x50x64xf32, #tpu.memory_space<hbm>>
    %dma_start3A_268 = tpu.memref_squeeze %dma_start3A_267 : memref<1x10x50x64xf32, #tpu.memory_space<hbm>> -> memref<10x50x64xf32, #tpu.memory_space<hbm>>
    tpu.enqueue_dma source(%arg4 : memref<10x50x64xf32, #tpu.memory_space<vmem>>) target(%dma_start3A_268 : memref<10x50x64xf32, #tpu.memory_space<hbm>>) target_semaphore(%arg5 : memref<!tpu.dma_semaphore, #tpu.memory_space<semaphore_mem>>)
    %dma_start3A_269 = arith.constant 90 : i32
    %dma_start3A_270 = arith.constant 0 : i32
    %dma_start3A_271 = arith.constant 0 : i32
    %dma_start3A_272 = tpu.memref_slice %arg3[%add3A, %dma_start3A_269, %dma_start3A_270, %dma_start3A_271] : memref<32x200x50x64xf32, #tpu.memory_space<hbm>> -> memref<1x10x50x64xf32, #tpu.memory_space<hbm>>
    %dma_start3A_273 = tpu.memref_squeeze %dma_start3A_272 : memref<1x10x50x64xf32, #tpu.memory_space<hbm>> -> memref<10x50x64xf32, #tpu.memory_space<hbm>>
    %dma_start3A_274 = arith.constant 90 : i32
    %dma_start3A_275 = arith.constant 0 : i32
    %dma_start3A_276 = arith.constant 0 : i32
    %dma_start3A_277 = tpu.memref_slice %arg3[%add3A, %dma_start3A_274, %dma_start3A_275, %dma_start3A_276] : memref<32x200x50x64xf32, #tpu.memory_space<hbm>> -> memref<1x10x50x64xf32, #tpu.memory_space<hbm>>
    %dma_start3A_278 = tpu.memref_squeeze %dma_start3A_277 : memref<1x10x50x64xf32, #tpu.memory_space<hbm>> -> memref<10x50x64xf32, #tpu.memory_space<hbm>>
    tpu.enqueue_dma source(%arg4 : memref<10x50x64xf32, #tpu.memory_space<vmem>>) target(%dma_start3A_278 : memref<10x50x64xf32, #tpu.memory_space<hbm>>) target_semaphore(%arg5 : memref<!tpu.dma_semaphore, #tpu.memory_space<semaphore_mem>>)
    %dma_start3A_279 = arith.constant 100 : i32
    %dma_start3A_280 = arith.constant 0 : i32
    %dma_start3A_281 = arith.constant 0 : i32
    %dma_start3A_282 = tpu.memref_slice %arg3[%add3A, %dma_start3A_279, %dma_start3A_280, %dma_start3A_281] : memref<32x200x50x64xf32, #tpu.memory_space<hbm>> -> memref<1x10x50x64xf32, #tpu.memory_space<hbm>>
    %dma_start3A_283 = tpu.memref_squeeze %dma_start3A_282 : memref<1x10x50x64xf32, #tpu.memory_space<hbm>> -> memref<10x50x64xf32, #tpu.memory_space<hbm>>
    %dma_start3A_284 = arith.constant 100 : i32
    %dma_start3A_285 = arith.constant 0 : i32
    %dma_start3A_286 = arith.constant 0 : i32
    %dma_start3A_287 = tpu.memref_slice %arg3[%add3A, %dma_start3A_284, %dma_start3A_285, %dma_start3A_286] : memref<32x200x50x64xf32, #tpu.memory_space<hbm>> -> memref<1x10x50x64xf32, #tpu.memory_space<hbm>>
    %dma_start3A_288 = tpu.memref_squeeze %dma_start3A_287 : memref<1x10x50x64xf32, #tpu.memory_space<hbm>> -> memref<10x50x64xf32, #tpu.memory_space<hbm>>
    tpu.enqueue_dma source(%arg4 : memref<10x50x64xf32, #tpu.memory_space<vmem>>) target(%dma_start3A_288 : memref<10x50x64xf32, #tpu.memory_space<hbm>>) target_semaphore(%arg5 : memref<!tpu.dma_semaphore, #tpu.memory_space<semaphore_mem>>)
    %dma_start3A_289 = arith.constant 110 : i32
    %dma_start3A_290 = arith.constant 0 : i32
    %dma_start3A_291 = arith.constant 0 : i32
    %dma_start3A_292 = tpu.memref_slice %arg3[%add3A, %dma_start3A_289, %dma_start3A_290, %dma_start3A_291] : memref<32x200x50x64xf32, #tpu.memory_space<hbm>> -> memref<1x10x50x64xf32, #tpu.memory_space<hbm>>
    %dma_start3A_293 = tpu.memref_squeeze %dma_start3A_292 : memref<1x10x50x64xf32, #tpu.memory_space<hbm>> -> memref<10x50x64xf32, #tpu.memory_space<hbm>>
    %dma_start3A_294 = arith.constant 110 : i32
    %dma_start3A_295 = arith.constant 0 : i32
    %dma_start3A_296 = arith.constant 0 : i32
    %dma_start3A_297 = tpu.memref_slice %arg3[%add3A, %dma_start3A_294, %dma_start3A_295, %dma_start3A_296] : memref<32x200x50x64xf32, #tpu.memory_space<hbm>> -> memref<1x10x50x64xf32, #tpu.memory_space<hbm>>
    %dma_start3A_298 = tpu.memref_squeeze %dma_start3A_297 : memref<1x10x50x64xf32, #tpu.memory_space<hbm>> -> memref<10x50x64xf32, #tpu.memory_space<hbm>>
    tpu.enqueue_dma source(%arg4 : memref<10x50x64xf32, #tpu.memory_space<vmem>>) target(%dma_start3A_298 : memref<10x50x64xf32, #tpu.memory_space<hbm>>) target_semaphore(%arg5 : memref<!tpu.dma_semaphore, #tpu.memory_space<semaphore_mem>>)
    %dma_start3A_299 = arith.constant 120 : i32
    %dma_start3A_300 = arith.constant 0 : i32
    %dma_start3A_301 = arith.constant 0 : i32
    %dma_start3A_302 = tpu.memref_slice %arg3[%add3A, %dma_start3A_299, %dma_start3A_300, %dma_start3A_301] : memref<32x200x50x64xf32, #tpu.memory_space<hbm>> -> memref<1x10x50x64xf32, #tpu.memory_space<hbm>>
    %dma_start3A_303 = tpu.memref_squeeze %dma_start3A_302 : memref<1x10x50x64xf32, #tpu.memory_space<hbm>> -> memref<10x50x64xf32, #tpu.memory_space<hbm>>
    %dma_start3A_304 = arith.constant 120 : i32
    %dma_start3A_305 = arith.constant 0 : i32
    %dma_start3A_306 = arith.constant 0 : i32
    %dma_start3A_307 = tpu.memref_slice %arg3[%add3A, %dma_start3A_304, %dma_start3A_305, %dma_start3A_306] : memref<32x200x50x64xf32, #tpu.memory_space<hbm>> -> memref<1x10x50x64xf32, #tpu.memory_space<hbm>>
    %dma_start3A_308 = tpu.memref_squeeze %dma_start3A_307 : memref<1x10x50x64xf32, #tpu.memory_space<hbm>> -> memref<10x50x64xf32, #tpu.memory_space<hbm>>
    tpu.enqueue_dma source(%arg4 : memref<10x50x64xf32, #tpu.memory_space<vmem>>) target(%dma_start3A_308 : memref<10x50x64xf32, #tpu.memory_space<hbm>>) target_semaphore(%arg5 : memref<!tpu.dma_semaphore, #tpu.memory_space<semaphore_mem>>)
    %dma_start3A_309 = arith.constant 130 : i32
    %dma_start3A_310 = arith.constant 0 : i32
    %dma_start3A_311 = arith.constant 0 : i32
    %dma_start3A_312 = tpu.memref_slice %arg3[%add3A, %dma_start3A_309, %dma_start3A_310, %dma_start3A_311] : memref<32x200x50x64xf32, #tpu.memory_space<hbm>> -> memref<1x10x50x64xf32, #tpu.memory_space<hbm>>
    %dma_start3A_313 = tpu.memref_squeeze %dma_start3A_312 : memref<1x10x50x64xf32, #tpu.memory_space<hbm>> -> memref<10x50x64xf32, #tpu.memory_space<hbm>>
    %dma_start3A_314 = arith.constant 130 : i32
    %dma_start3A_315 = arith.constant 0 : i32
    %dma_start3A_316 = arith.constant 0 : i32
    %dma_start3A_317 = tpu.memref_slice %arg3[%add3A, %dma_start3A_314, %dma_start3A_315, %dma_start3A_316] : memref<32x200x50x64xf32, #tpu.memory_space<hbm>> -> memref<1x10x50x64xf32, #tpu.memory_space<hbm>>
    %dma_start3A_318 = tpu.memref_squeeze %dma_start3A_317 : memref<1x10x50x64xf32, #tpu.memory_space<hbm>> -> memref<10x50x64xf32, #tpu.memory_space<hbm>>
    tpu.enqueue_dma source(%arg4 : memref<10x50x64xf32, #tpu.memory_space<vmem>>) target(%dma_start3A_318 : memref<10x50x64xf32, #tpu.memory_space<hbm>>) target_semaphore(%arg5 : memref<!tpu.dma_semaphore, #tpu.memory_space<semaphore_mem>>)
    %dma_start3A_319 = arith.constant 140 : i32
    %dma_start3A_320 = arith.constant 0 : i32
    %dma_start3A_321 = arith.constant 0 : i32
    %dma_start3A_322 = tpu.memref_slice %arg3[%add3A, %dma_start3A_319, %dma_start3A_320, %dma_start3A_321] : memref<32x200x50x64xf32, #tpu.memory_space<hbm>> -> memref<1x10x50x64xf32, #tpu.memory_space<hbm>>
    %dma_start3A_323 = tpu.memref_squeeze %dma_start3A_322 : memref<1x10x50x64xf32, #tpu.memory_space<hbm>> -> memref<10x50x64xf32, #tpu.memory_space<hbm>>
    %dma_start3A_324 = arith.constant 140 : i32
    %dma_start3A_325 = arith.constant 0 : i32
    %dma_start3A_326 = arith.constant 0 : i32
    %dma_start3A_327 = tpu.memref_slice %arg3[%add3A, %dma_start3A_324, %dma_start3A_325, %dma_start3A_326] : memref<32x200x50x64xf32, #tpu.memory_space<hbm>> -> memref<1x10x50x64xf32, #tpu.memory_space<hbm>>
    %dma_start3A_328 = tpu.memref_squeeze %dma_start3A_327 : memref<1x10x50x64xf32, #tpu.memory_space<hbm>> -> memref<10x50x64xf32, #tpu.memory_space<hbm>>
    tpu.enqueue_dma source(%arg4 : memref<10x50x64xf32, #tpu.memory_space<vmem>>) target(%dma_start3A_328 : memref<10x50x64xf32, #tpu.memory_space<hbm>>) target_semaphore(%arg5 : memref<!tpu.dma_semaphore, #tpu.memory_space<semaphore_mem>>)
    %dma_start3A_329 = arith.constant 150 : i32
    %dma_start3A_330 = arith.constant 0 : i32
    %dma_start3A_331 = arith.constant 0 : i32
    %dma_start3A_332 = tpu.memref_slice %arg3[%add3A, %dma_start3A_329, %dma_start3A_330, %dma_start3A_331] : memref<32x200x50x64xf32, #tpu.memory_space<hbm>> -> memref<1x10x50x64xf32, #tpu.memory_space<hbm>>
    %dma_start3A_333 = tpu.memref_squeeze %dma_start3A_332 : memref<1x10x50x64xf32, #tpu.memory_space<hbm>> -> memref<10x50x64xf32, #tpu.memory_space<hbm>>
    %dma_start3A_334 = arith.constant 150 : i32
    %dma_start3A_335 = arith.constant 0 : i32
    %dma_start3A_336 = arith.constant 0 : i32
    %dma_start3A_337 = tpu.memref_slice %arg3[%add3A, %dma_start3A_334, %dma_start3A_335, %dma_start3A_336] : memref<32x200x50x64xf32, #tpu.memory_space<hbm>> -> memref<1x10x50x64xf32, #tpu.memory_space<hbm>>
    %dma_start3A_338 = tpu.memref_squeeze %dma_start3A_337 : memref<1x10x50x64xf32, #tpu.memory_space<hbm>> -> memref<10x50x64xf32, #tpu.memory_space<hbm>>
    tpu.enqueue_dma source(%arg4 : memref<10x50x64xf32, #tpu.memory_space<vmem>>) target(%dma_start3A_338 : memref<10x50x64xf32, #tpu.memory_space<hbm>>) target_semaphore(%arg5 : memref<!tpu.dma_semaphore, #tpu.memory_space<semaphore_mem>>)
    %dma_start3A_339 = arith.constant 160 : i32
    %dma_start3A_340 = arith.constant 0 : i32
    %dma_start3A_341 = arith.constant 0 : i32
    %dma_start3A_342 = tpu.memref_slice %arg3[%add3A, %dma_start3A_339, %dma_start3A_340, %dma_start3A_341] : memref<32x200x50x64xf32, #tpu.memory_space<hbm>> -> memref<1x10x50x64xf32, #tpu.memory_space<hbm>>
    %dma_start3A_343 = tpu.memref_squeeze %dma_start3A_342 : memref<1x10x50x64xf32, #tpu.memory_space<hbm>> -> memref<10x50x64xf32, #tpu.memory_space<hbm>>
    %dma_start3A_344 = arith.constant 160 : i32
    %dma_start3A_345 = arith.constant 0 : i32
    %dma_start3A_346 = arith.constant 0 : i32
    %dma_start3A_347 = tpu.memref_slice %arg3[%add3A, %dma_start3A_344, %dma_start3A_345, %dma_start3A_346] : memref<32x200x50x64xf32, #tpu.memory_space<hbm>> -> memref<1x10x50x64xf32, #tpu.memory_space<hbm>>
    %dma_start3A_348 = tpu.memref_squeeze %dma_start3A_347 : memref<1x10x50x64xf32, #tpu.memory_space<hbm>> -> memref<10x50x64xf32, #tpu.memory_space<hbm>>
    tpu.enqueue_dma source(%arg4 : memref<10x50x64xf32, #tpu.memory_space<vmem>>) target(%dma_start3A_348 : memref<10x50x64xf32, #tpu.memory_space<hbm>>) target_semaphore(%arg5 : memref<!tpu.dma_semaphore, #tpu.memory_space<semaphore_mem>>)
    %dma_start3A_349 = arith.constant 170 : i32
    %dma_start3A_350 = arith.constant 0 : i32
    %dma_start3A_351 = arith.constant 0 : i32
    %dma_start3A_352 = tpu.memref_slice %arg3[%add3A, %dma_start3A_349, %dma_start3A_350, %dma_start3A_351] : memref<32x200x50x64xf32, #tpu.memory_space<hbm>> -> memref<1x10x50x64xf32, #tpu.memory_space<hbm>>
    %dma_start3A_353 = tpu.memref_squeeze %dma_start3A_352 : memref<1x10x50x64xf32, #tpu.memory_space<hbm>> -> memref<10x50x64xf32, #tpu.memory_space<hbm>>
    %dma_start3A_354 = arith.constant 170 : i32
    %dma_start3A_355 = arith.constant 0 : i32
    %dma_start3A_356 = arith.constant 0 : i32
    %dma_start3A_357 = tpu.memref_slice %arg3[%add3A, %dma_start3A_354, %dma_start3A_355, %dma_start3A_356] : memref<32x200x50x64xf32, #tpu.memory_space<hbm>> -> memref<1x10x50x64xf32, #tpu.memory_space<hbm>>
    %dma_start3A_358 = tpu.memref_squeeze %dma_start3A_357 : memref<1x10x50x64xf32, #tpu.memory_space<hbm>> -> memref<10x50x64xf32, #tpu.memory_space<hbm>>
    tpu.enqueue_dma source(%arg4 : memref<10x50x64xf32, #tpu.memory_space<vmem>>) target(%dma_start3A_358 : memref<10x50x64xf32, #tpu.memory_space<hbm>>) target_semaphore(%arg5 : memref<!tpu.dma_semaphore, #tpu.memory_space<semaphore_mem>>)
    %dma_start3A_359 = arith.constant 180 : i32
    %dma_start3A_360 = arith.constant 0 : i32
    %dma_start3A_361 = arith.constant 0 : i32
    %dma_start3A_362 = tpu.memref_slice %arg3[%add3A, %dma_start3A_359, %dma_start3A_360, %dma_start3A_361] : memref<32x200x50x64xf32, #tpu.memory_space<hbm>> -> memref<1x10x50x64xf32, #tpu.memory_space<hbm>>
    %dma_start3A_363 = tpu.memref_squeeze %dma_start3A_362 : memref<1x10x50x64xf32, #tpu.memory_space<hbm>> -> memref<10x50x64xf32, #tpu.memory_space<hbm>>
    %dma_start3A_364 = arith.constant 180 : i32
    %dma_start3A_365 = arith.constant 0 : i32
    %dma_start3A_366 = arith.constant 0 : i32
    %dma_start3A_367 = tpu.memref_slice %arg3[%add3A, %dma_start3A_364, %dma_start3A_365, %dma_start3A_366] : memref<32x200x50x64xf32, #tpu.memory_space<hbm>> -> memref<1x10x50x64xf32, #tpu.memory_space<hbm>>
    %dma_start3A_368 = tpu.memref_squeeze %dma_start3A_367 : memref<1x10x50x64xf32, #tpu.memory_space<hbm>> -> memref<10x50x64xf32, #tpu.memory_space<hbm>>
    tpu.enqueue_dma source(%arg4 : memref<10x50x64xf32, #tpu.memory_space<vmem>>) target(%dma_start3A_368 : memref<10x50x64xf32, #tpu.memory_space<hbm>>) target_semaphore(%arg5 : memref<!tpu.dma_semaphore, #tpu.memory_space<semaphore_mem>>)
    %dma_start3A_369 = arith.constant 190 : i32
    %dma_start3A_370 = arith.constant 0 : i32
    %dma_start3A_371 = arith.constant 0 : i32
    %dma_start3A_372 = tpu.memref_slice %arg3[%add3A, %dma_start3A_369, %dma_start3A_370, %dma_start3A_371] : memref<32x200x50x64xf32, #tpu.memory_space<hbm>> -> memref<1x10x50x64xf32, #tpu.memory_space<hbm>>
    %dma_start3A_373 = tpu.memref_squeeze %dma_start3A_372 : memref<1x10x50x64xf32, #tpu.memory_space<hbm>> -> memref<10x50x64xf32, #tpu.memory_space<hbm>>
    %dma_start3A_374 = arith.constant 190 : i32
    %dma_start3A_375 = arith.constant 0 : i32
    %dma_start3A_376 = arith.constant 0 : i32
    %dma_start3A_377 = tpu.memref_slice %arg3[%add3A, %dma_start3A_374, %dma_start3A_375, %dma_start3A_376] : memref<32x200x50x64xf32, #tpu.memory_space<hbm>> -> memref<1x10x50x64xf32, #tpu.memory_space<hbm>>
    %dma_start3A_378 = tpu.memref_squeeze %dma_start3A_377 : memref<1x10x50x64xf32, #tpu.memory_space<hbm>> -> memref<10x50x64xf32, #tpu.memory_space<hbm>>
    tpu.enqueue_dma source(%arg4 : memref<10x50x64xf32, #tpu.memory_space<vmem>>) target(%dma_start3A_378 : memref<10x50x64xf32, #tpu.memory_space<hbm>>) target_semaphore(%arg5 : memref<!tpu.dma_semaphore, #tpu.memory_space<semaphore_mem>>)
    %dma_wait3A_379 = arith.constant 0 : i32
    %dma_wait3A_380 = arith.constant 0 : i32
    %dma_wait3A_381 = arith.constant 0 : i32
    %dma_wait3A_382 = tpu.memref_slice %arg3[%add3A, %dma_wait3A_379, %dma_wait3A_380, %dma_wait3A_381] : memref<32x200x50x64xf32, #tpu.memory_space<hbm>> -> memref<1x10x50x64xf32, #tpu.memory_space<hbm>>
    %dma_wait3A_383 = tpu.memref_squeeze %dma_wait3A_382 : memref<1x10x50x64xf32, #tpu.memory_space<hbm>> -> memref<10x50x64xf32, #tpu.memory_space<hbm>>
    %dma_wait3A_384 = arith.constant 0 : i32
    %dma_wait3A_385 = arith.constant 0 : i32
    %dma_wait3A_386 = arith.constant 0 : i32
    %dma_wait3A_387 = tpu.memref_slice %arg3[%add3A, %dma_wait3A_384, %dma_wait3A_385, %dma_wait3A_386] : memref<32x200x50x64xf32, #tpu.memory_space<hbm>> -> memref<1x10x50x64xf32, #tpu.memory_space<hbm>>
    %dma_wait3A_388 = tpu.memref_squeeze %dma_wait3A_387 : memref<1x10x50x64xf32, #tpu.memory_space<hbm>> -> memref<10x50x64xf32, #tpu.memory_space<hbm>>
    tpu.wait_dma2 semaphore(%arg5 : memref<!tpu.dma_semaphore, #tpu.memory_space<semaphore_mem>>) src(%arg4 : memref<10x50x64xf32, #tpu.memory_space<vmem>>) dst(%dma_wait3A_388 : memref<10x50x64xf32, #tpu.memory_space<hbm>>)
    %dma_wait3A_389 = arith.constant 10 : i32
    %dma_wait3A_390 = arith.constant 0 : i32
    %dma_wait3A_391 = arith.constant 0 : i32
    %dma_wait3A_392 = tpu.memref_slice %arg3[%add3A, %dma_wait3A_389, %dma_wait3A_390, %dma_wait3A_391] : memref<32x200x50x64xf32, #tpu.memory_space<hbm>> -> memref<1x10x50x64xf32, #tpu.memory_space<hbm>>
    %dma_wait3A_393 = tpu.memref_squeeze %dma_wait3A_392 : memref<1x10x50x64xf32, #tpu.memory_space<hbm>> -> memref<10x50x64xf32, #tpu.memory_space<hbm>>
    %dma_wait3A_394 = arith.constant 10 : i32
    %dma_wait3A_395 = arith.constant 0 : i32
    %dma_wait3A_396 = arith.constant 0 : i32
    %dma_wait3A_397 = tpu.memref_slice %arg3[%add3A, %dma_wait3A_394, %dma_wait3A_395, %dma_wait3A_396] : memref<32x200x50x64xf32, #tpu.memory_space<hbm>> -> memref<1x10x50x64xf32, #tpu.memory_space<hbm>>
    %dma_wait3A_398 = tpu.memref_squeeze %dma_wait3A_397 : memref<1x10x50x64xf32, #tpu.memory_space<hbm>> -> memref<10x50x64xf32, #tpu.memory_space<hbm>>
    tpu.wait_dma2 semaphore(%arg5 : memref<!tpu.dma_semaphore, #tpu.memory_space<semaphore_mem>>) src(%arg4 : memref<10x50x64xf32, #tpu.memory_space<vmem>>) dst(%dma_wait3A_398 : memref<10x50x64xf32, #tpu.memory_space<hbm>>)
    %dma_wait3A_399 = arith.constant 20 : i32
    %dma_wait3A_400 = arith.constant 0 : i32
    %dma_wait3A_401 = arith.constant 0 : i32
    %dma_wait3A_402 = tpu.memref_slice %arg3[%add3A, %dma_wait3A_399, %dma_wait3A_400, %dma_wait3A_401] : memref<32x200x50x64xf32, #tpu.memory_space<hbm>> -> memref<1x10x50x64xf32, #tpu.memory_space<hbm>>
    %dma_wait3A_403 = tpu.memref_squeeze %dma_wait3A_402 : memref<1x10x50x64xf32, #tpu.memory_space<hbm>> -> memref<10x50x64xf32, #tpu.memory_space<hbm>>
    %dma_wait3A_404 = arith.constant 20 : i32
    %dma_wait3A_405 = arith.constant 0 : i32
    %dma_wait3A_406 = arith.constant 0 : i32
    %dma_wait3A_407 = tpu.memref_slice %arg3[%add3A, %dma_wait3A_404, %dma_wait3A_405, %dma_wait3A_406] : memref<32x200x50x64xf32, #tpu.memory_space<hbm>> -> memref<1x10x50x64xf32, #tpu.memory_space<hbm>>
    %dma_wait3A_408 = tpu.memref_squeeze %dma_wait3A_407 : memref<1x10x50x64xf32, #tpu.memory_space<hbm>> -> memref<10x50x64xf32, #tpu.memory_space<hbm>>
    tpu.wait_dma2 semaphore(%arg5 : memref<!tpu.dma_semaphore, #tpu.memory_space<semaphore_mem>>) src(%arg4 : memref<10x50x64xf32, #tpu.memory_space<vmem>>) dst(%dma_wait3A_408 : memref<10x50x64xf32, #tpu.memory_space<hbm>>)
    %dma_wait3A_409 = arith.constant 30 : i32
    %dma_wait3A_410 = arith.constant 0 : i32
    %dma_wait3A_411 = arith.constant 0 : i32
    %dma_wait3A_412 = tpu.memref_slice %arg3[%add3A, %dma_wait3A_409, %dma_wait3A_410, %dma_wait3A_411] : memref<32x200x50x64xf32, #tpu.memory_space<hbm>> -> memref<1x10x50x64xf32, #tpu.memory_space<hbm>>
    %dma_wait3A_413 = tpu.memref_squeeze %dma_wait3A_412 : memref<1x10x50x64xf32, #tpu.memory_space<hbm>> -> memref<10x50x64xf32, #tpu.memory_space<hbm>>
    %dma_wait3A_414 = arith.constant 30 : i32
    %dma_wait3A_415 = arith.constant 0 : i32
    %dma_wait3A_416 = arith.constant 0 : i32
    %dma_wait3A_417 = tpu.memref_slice %arg3[%add3A, %dma_wait3A_414, %dma_wait3A_415, %dma_wait3A_416] : memref<32x200x50x64xf32, #tpu.memory_space<hbm>> -> memref<1x10x50x64xf32, #tpu.memory_space<hbm>>
    %dma_wait3A_418 = tpu.memref_squeeze %dma_wait3A_417 : memref<1x10x50x64xf32, #tpu.memory_space<hbm>> -> memref<10x50x64xf32, #tpu.memory_space<hbm>>
    tpu.wait_dma2 semaphore(%arg5 : memref<!tpu.dma_semaphore, #tpu.memory_space<semaphore_mem>>) src(%arg4 : memref<10x50x64xf32, #tpu.memory_space<vmem>>) dst(%dma_wait3A_418 : memref<10x50x64xf32, #tpu.memory_space<hbm>>)
    %dma_wait3A_419 = arith.constant 40 : i32
    %dma_wait3A_420 = arith.constant 0 : i32
    %dma_wait3A_421 = arith.constant 0 : i32
    %dma_wait3A_422 = tpu.memref_slice %arg3[%add3A, %dma_wait3A_419, %dma_wait3A_420, %dma_wait3A_421] : memref<32x200x50x64xf32, #tpu.memory_space<hbm>> -> memref<1x10x50x64xf32, #tpu.memory_space<hbm>>
    %dma_wait3A_423 = tpu.memref_squeeze %dma_wait3A_422 : memref<1x10x50x64xf32, #tpu.memory_space<hbm>> -> memref<10x50x64xf32, #tpu.memory_space<hbm>>
    %dma_wait3A_424 = arith.constant 40 : i32
    %dma_wait3A_425 = arith.constant 0 : i32
    %dma_wait3A_426 = arith.constant 0 : i32
    %dma_wait3A_427 = tpu.memref_slice %arg3[%add3A, %dma_wait3A_424, %dma_wait3A_425, %dma_wait3A_426] : memref<32x200x50x64xf32, #tpu.memory_space<hbm>> -> memref<1x10x50x64xf32, #tpu.memory_space<hbm>>
    %dma_wait3A_428 = tpu.memref_squeeze %dma_wait3A_427 : memref<1x10x50x64xf32, #tpu.memory_space<hbm>> -> memref<10x50x64xf32, #tpu.memory_space<hbm>>
    tpu.wait_dma2 semaphore(%arg5 : memref<!tpu.dma_semaphore, #tpu.memory_space<semaphore_mem>>) src(%arg4 : memref<10x50x64xf32, #tpu.memory_space<vmem>>) dst(%dma_wait3A_428 : memref<10x50x64xf32, #tpu.memory_space<hbm>>)
    %dma_wait3A_429 = arith.constant 50 : i32
    %dma_wait3A_430 = arith.constant 0 : i32
    %dma_wait3A_431 = arith.constant 0 : i32
    %dma_wait3A_432 = tpu.memref_slice %arg3[%add3A, %dma_wait3A_429, %dma_wait3A_430, %dma_wait3A_431] : memref<32x200x50x64xf32, #tpu.memory_space<hbm>> -> memref<1x10x50x64xf32, #tpu.memory_space<hbm>>
    %dma_wait3A_433 = tpu.memref_squeeze %dma_wait3A_432 : memref<1x10x50x64xf32, #tpu.memory_space<hbm>> -> memref<10x50x64xf32, #tpu.memory_space<hbm>>
    %dma_wait3A_434 = arith.constant 50 : i32
    %dma_wait3A_435 = arith.constant 0 : i32
    %dma_wait3A_436 = arith.constant 0 : i32
    %dma_wait3A_437 = tpu.memref_slice %arg3[%add3A, %dma_wait3A_434, %dma_wait3A_435, %dma_wait3A_436] : memref<32x200x50x64xf32, #tpu.memory_space<hbm>> -> memref<1x10x50x64xf32, #tpu.memory_space<hbm>>
    %dma_wait3A_438 = tpu.memref_squeeze %dma_wait3A_437 : memref<1x10x50x64xf32, #tpu.memory_space<hbm>> -> memref<10x50x64xf32, #tpu.memory_space<hbm>>
    tpu.wait_dma2 semaphore(%arg5 : memref<!tpu.dma_semaphore, #tpu.memory_space<semaphore_mem>>) src(%arg4 : memref<10x50x64xf32, #tpu.memory_space<vmem>>) dst(%dma_wait3A_438 : memref<10x50x64xf32, #tpu.memory_space<hbm>>)
    %dma_wait3A_439 = arith.constant 60 : i32
    %dma_wait3A_440 = arith.constant 0 : i32
    %dma_wait3A_441 = arith.constant 0 : i32
    %dma_wait3A_442 = tpu.memref_slice %arg3[%add3A, %dma_wait3A_439, %dma_wait3A_440, %dma_wait3A_441] : memref<32x200x50x64xf32, #tpu.memory_space<hbm>> -> memref<1x10x50x64xf32, #tpu.memory_space<hbm>>
    %dma_wait3A_443 = tpu.memref_squeeze %dma_wait3A_442 : memref<1x10x50x64xf32, #tpu.memory_space<hbm>> -> memref<10x50x64xf32, #tpu.memory_space<hbm>>
    %dma_wait3A_444 = arith.constant 60 : i32
    %dma_wait3A_445 = arith.constant 0 : i32
    %dma_wait3A_446 = arith.constant 0 : i32
    %dma_wait3A_447 = tpu.memref_slice %arg3[%add3A, %dma_wait3A_444, %dma_wait3A_445, %dma_wait3A_446] : memref<32x200x50x64xf32, #tpu.memory_space<hbm>> -> memref<1x10x50x64xf32, #tpu.memory_space<hbm>>
    %dma_wait3A_448 = tpu.memref_squeeze %dma_wait3A_447 : memref<1x10x50x64xf32, #tpu.memory_space<hbm>> -> memref<10x50x64xf32, #tpu.memory_space<hbm>>
    tpu.wait_dma2 semaphore(%arg5 : memref<!tpu.dma_semaphore, #tpu.memory_space<semaphore_mem>>) src(%arg4 : memref<10x50x64xf32, #tpu.memory_space<vmem>>) dst(%dma_wait3A_448 : memref<10x50x64xf32, #tpu.memory_space<hbm>>)
    %dma_wait3A_449 = arith.constant 70 : i32
    %dma_wait3A_450 = arith.constant 0 : i32
    %dma_wait3A_451 = arith.constant 0 : i32
    %dma_wait3A_452 = tpu.memref_slice %arg3[%add3A, %dma_wait3A_449, %dma_wait3A_450, %dma_wait3A_451] : memref<32x200x50x64xf32, #tpu.memory_space<hbm>> -> memref<1x10x50x64xf32, #tpu.memory_space<hbm>>
    %dma_wait3A_453 = tpu.memref_squeeze %dma_wait3A_452 : memref<1x10x50x64xf32, #tpu.memory_space<hbm>> -> memref<10x50x64xf32, #tpu.memory_space<hbm>>
    %dma_wait3A_454 = arith.constant 70 : i32
    %dma_wait3A_455 = arith.constant 0 : i32
    %dma_wait3A_456 = arith.constant 0 : i32
    %dma_wait3A_457 = tpu.memref_slice %arg3[%add3A, %dma_wait3A_454, %dma_wait3A_455, %dma_wait3A_456] : memref<32x200x50x64xf32, #tpu.memory_space<hbm>> -> memref<1x10x50x64xf32, #tpu.memory_space<hbm>>
    %dma_wait3A_458 = tpu.memref_squeeze %dma_wait3A_457 : memref<1x10x50x64xf32, #tpu.memory_space<hbm>> -> memref<10x50x64xf32, #tpu.memory_space<hbm>>
    tpu.wait_dma2 semaphore(%arg5 : memref<!tpu.dma_semaphore, #tpu.memory_space<semaphore_mem>>) src(%arg4 : memref<10x50x64xf32, #tpu.memory_space<vmem>>) dst(%dma_wait3A_458 : memref<10x50x64xf32, #tpu.memory_space<hbm>>)
    %dma_wait3A_459 = arith.constant 80 : i32
    %dma_wait3A_460 = arith.constant 0 : i32
    %dma_wait3A_461 = arith.constant 0 : i32
    %dma_wait3A_462 = tpu.memref_slice %arg3[%add3A, %dma_wait3A_459, %dma_wait3A_460, %dma_wait3A_461] : memref<32x200x50x64xf32, #tpu.memory_space<hbm>> -> memref<1x10x50x64xf32, #tpu.memory_space<hbm>>
    %dma_wait3A_463 = tpu.memref_squeeze %dma_wait3A_462 : memref<1x10x50x64xf32, #tpu.memory_space<hbm>> -> memref<10x50x64xf32, #tpu.memory_space<hbm>>
    %dma_wait3A_464 = arith.constant 80 : i32
    %dma_wait3A_465 = arith.constant 0 : i32
    %dma_wait3A_466 = arith.constant 0 : i32
    %dma_wait3A_467 = tpu.memref_slice %arg3[%add3A, %dma_wait3A_464, %dma_wait3A_465, %dma_wait3A_466] : memref<32x200x50x64xf32, #tpu.memory_space<hbm>> -> memref<1x10x50x64xf32, #tpu.memory_space<hbm>>
    %dma_wait3A_468 = tpu.memref_squeeze %dma_wait3A_467 : memref<1x10x50x64xf32, #tpu.memory_space<hbm>> -> memref<10x50x64xf32, #tpu.memory_space<hbm>>
    tpu.wait_dma2 semaphore(%arg5 : memref<!tpu.dma_semaphore, #tpu.memory_space<semaphore_mem>>) src(%arg4 : memref<10x50x64xf32, #tpu.memory_space<vmem>>) dst(%dma_wait3A_468 : memref<10x50x64xf32, #tpu.memory_space<hbm>>)
    %dma_wait3A_469 = arith.constant 90 : i32
    %dma_wait3A_470 = arith.constant 0 : i32
    %dma_wait3A_471 = arith.constant 0 : i32
    %dma_wait3A_472 = tpu.memref_slice %arg3[%add3A, %dma_wait3A_469, %dma_wait3A_470, %dma_wait3A_471] : memref<32x200x50x64xf32, #tpu.memory_space<hbm>> -> memref<1x10x50x64xf32, #tpu.memory_space<hbm>>
    %dma_wait3A_473 = tpu.memref_squeeze %dma_wait3A_472 : memref<1x10x50x64xf32, #tpu.memory_space<hbm>> -> memref<10x50x64xf32, #tpu.memory_space<hbm>>
    %dma_wait3A_474 = arith.constant 90 : i32
    %dma_wait3A_475 = arith.constant 0 : i32
    %dma_wait3A_476 = arith.constant 0 : i32
    %dma_wait3A_477 = tpu.memref_slice %arg3[%add3A, %dma_wait3A_474, %dma_wait3A_475, %dma_wait3A_476] : memref<32x200x50x64xf32, #tpu.memory_space<hbm>> -> memref<1x10x50x64xf32, #tpu.memory_space<hbm>>
    %dma_wait3A_478 = tpu.memref_squeeze %dma_wait3A_477 : memref<1x10x50x64xf32, #tpu.memory_space<hbm>> -> memref<10x50x64xf32, #tpu.memory_space<hbm>>
    tpu.wait_dma2 semaphore(%arg5 : memref<!tpu.dma_semaphore, #tpu.memory_space<semaphore_mem>>) src(%arg4 : memref<10x50x64xf32, #tpu.memory_space<vmem>>) dst(%dma_wait3A_478 : memref<10x50x64xf32, #tpu.memory_space<hbm>>)
    %dma_wait3A_479 = arith.constant 100 : i32
    %dma_wait3A_480 = arith.constant 0 : i32
    %dma_wait3A_481 = arith.constant 0 : i32
    %dma_wait3A_482 = tpu.memref_slice %arg3[%add3A, %dma_wait3A_479, %dma_wait3A_480, %dma_wait3A_481] : memref<32x200x50x64xf32, #tpu.memory_space<hbm>> -> memref<1x10x50x64xf32, #tpu.memory_space<hbm>>
    %dma_wait3A_483 = tpu.memref_squeeze %dma_wait3A_482 : memref<1x10x50x64xf32, #tpu.memory_space<hbm>> -> memref<10x50x64xf32, #tpu.memory_space<hbm>>
    %dma_wait3A_484 = arith.constant 100 : i32
    %dma_wait3A_485 = arith.constant 0 : i32
    %dma_wait3A_486 = arith.constant 0 : i32
    %dma_wait3A_487 = tpu.memref_slice %arg3[%add3A, %dma_wait3A_484, %dma_wait3A_485, %dma_wait3A_486] : memref<32x200x50x64xf32, #tpu.memory_space<hbm>> -> memref<1x10x50x64xf32, #tpu.memory_space<hbm>>
    %dma_wait3A_488 = tpu.memref_squeeze %dma_wait3A_487 : memref<1x10x50x64xf32, #tpu.memory_space<hbm>> -> memref<10x50x64xf32, #tpu.memory_space<hbm>>
    tpu.wait_dma2 semaphore(%arg5 : memref<!tpu.dma_semaphore, #tpu.memory_space<semaphore_mem>>) src(%arg4 : memref<10x50x64xf32, #tpu.memory_space<vmem>>) dst(%dma_wait3A_488 : memref<10x50x64xf32, #tpu.memory_space<hbm>>)
    %dma_wait3A_489 = arith.constant 110 : i32
    %dma_wait3A_490 = arith.constant 0 : i32
    %dma_wait3A_491 = arith.constant 0 : i32
    %dma_wait3A_492 = tpu.memref_slice %arg3[%add3A, %dma_wait3A_489, %dma_wait3A_490, %dma_wait3A_491] : memref<32x200x50x64xf32, #tpu.memory_space<hbm>> -> memref<1x10x50x64xf32, #tpu.memory_space<hbm>>
    %dma_wait3A_493 = tpu.memref_squeeze %dma_wait3A_492 : memref<1x10x50x64xf32, #tpu.memory_space<hbm>> -> memref<10x50x64xf32, #tpu.memory_space<hbm>>
    %dma_wait3A_494 = arith.constant 110 : i32
    %dma_wait3A_495 = arith.constant 0 : i32
    %dma_wait3A_496 = arith.constant 0 : i32
    %dma_wait3A_497 = tpu.memref_slice %arg3[%add3A, %dma_wait3A_494, %dma_wait3A_495, %dma_wait3A_496] : memref<32x200x50x64xf32, #tpu.memory_space<hbm>> -> memref<1x10x50x64xf32, #tpu.memory_space<hbm>>
    %dma_wait3A_498 = tpu.memref_squeeze %dma_wait3A_497 : memref<1x10x50x64xf32, #tpu.memory_space<hbm>> -> memref<10x50x64xf32, #tpu.memory_space<hbm>>
    tpu.wait_dma2 semaphore(%arg5 : memref<!tpu.dma_semaphore, #tpu.memory_space<semaphore_mem>>) src(%arg4 : memref<10x50x64xf32, #tpu.memory_space<vmem>>) dst(%dma_wait3A_498 : memref<10x50x64xf32, #tpu.memory_space<hbm>>)
    %dma_wait3A_499 = arith.constant 120 : i32
    %dma_wait3A_500 = arith.constant 0 : i32
    %dma_wait3A_501 = arith.constant 0 : i32
    %dma_wait3A_502 = tpu.memref_slice %arg3[%add3A, %dma_wait3A_499, %dma_wait3A_500, %dma_wait3A_501] : memref<32x200x50x64xf32, #tpu.memory_space<hbm>> -> memref<1x10x50x64xf32, #tpu.memory_space<hbm>>
    %dma_wait3A_503 = tpu.memref_squeeze %dma_wait3A_502 : memref<1x10x50x64xf32, #tpu.memory_space<hbm>> -> memref<10x50x64xf32, #tpu.memory_space<hbm>>
    %dma_wait3A_504 = arith.constant 120 : i32
    %dma_wait3A_505 = arith.constant 0 : i32
    %dma_wait3A_506 = arith.constant 0 : i32
    %dma_wait3A_507 = tpu.memref_slice %arg3[%add3A, %dma_wait3A_504, %dma_wait3A_505, %dma_wait3A_506] : memref<32x200x50x64xf32, #tpu.memory_space<hbm>> -> memref<1x10x50x64xf32, #tpu.memory_space<hbm>>
    %dma_wait3A_508 = tpu.memref_squeeze %dma_wait3A_507 : memref<1x10x50x64xf32, #tpu.memory_space<hbm>> -> memref<10x50x64xf32, #tpu.memory_space<hbm>>
    tpu.wait_dma2 semaphore(%arg5 : memref<!tpu.dma_semaphore, #tpu.memory_space<semaphore_mem>>) src(%arg4 : memref<10x50x64xf32, #tpu.memory_space<vmem>>) dst(%dma_wait3A_508 : memref<10x50x64xf32, #tpu.memory_space<hbm>>)
    %dma_wait3A_509 = arith.constant 130 : i32
    %dma_wait3A_510 = arith.constant 0 : i32
    %dma_wait3A_511 = arith.constant 0 : i32
    %dma_wait3A_512 = tpu.memref_slice %arg3[%add3A, %dma_wait3A_509, %dma_wait3A_510, %dma_wait3A_511] : memref<32x200x50x64xf32, #tpu.memory_space<hbm>> -> memref<1x10x50x64xf32, #tpu.memory_space<hbm>>
    %dma_wait3A_513 = tpu.memref_squeeze %dma_wait3A_512 : memref<1x10x50x64xf32, #tpu.memory_space<hbm>> -> memref<10x50x64xf32, #tpu.memory_space<hbm>>
    %dma_wait3A_514 = arith.constant 130 : i32
    %dma_wait3A_515 = arith.constant 0 : i32
    %dma_wait3A_516 = arith.constant 0 : i32
    %dma_wait3A_517 = tpu.memref_slice %arg3[%add3A, %dma_wait3A_514, %dma_wait3A_515, %dma_wait3A_516] : memref<32x200x50x64xf32, #tpu.memory_space<hbm>> -> memref<1x10x50x64xf32, #tpu.memory_space<hbm>>
    %dma_wait3A_518 = tpu.memref_squeeze %dma_wait3A_517 : memref<1x10x50x64xf32, #tpu.memory_space<hbm>> -> memref<10x50x64xf32, #tpu.memory_space<hbm>>
    tpu.wait_dma2 semaphore(%arg5 : memref<!tpu.dma_semaphore, #tpu.memory_space<semaphore_mem>>) src(%arg4 : memref<10x50x64xf32, #tpu.memory_space<vmem>>) dst(%dma_wait3A_518 : memref<10x50x64xf32, #tpu.memory_space<hbm>>)
    %dma_wait3A_519 = arith.constant 140 : i32
    %dma_wait3A_520 = arith.constant 0 : i32
    %dma_wait3A_521 = arith.constant 0 : i32
    %dma_wait3A_522 = tpu.memref_slice %arg3[%add3A, %dma_wait3A_519, %dma_wait3A_520, %dma_wait3A_521] : memref<32x200x50x64xf32, #tpu.memory_space<hbm>> -> memref<1x10x50x64xf32, #tpu.memory_space<hbm>>
    %dma_wait3A_523 = tpu.memref_squeeze %dma_wait3A_522 : memref<1x10x50x64xf32, #tpu.memory_space<hbm>> -> memref<10x50x64xf32, #tpu.memory_space<hbm>>
    %dma_wait3A_524 = arith.constant 140 : i32
    %dma_wait3A_525 = arith.constant 0 : i32
    %dma_wait3A_526 = arith.constant 0 : i32
    %dma_wait3A_527 = tpu.memref_slice %arg3[%add3A, %dma_wait3A_524, %dma_wait3A_525, %dma_wait3A_526] : memref<32x200x50x64xf32, #tpu.memory_space<hbm>> -> memref<1x10x50x64xf32, #tpu.memory_space<hbm>>
    %dma_wait3A_528 = tpu.memref_squeeze %dma_wait3A_527 : memref<1x10x50x64xf32, #tpu.memory_space<hbm>> -> memref<10x50x64xf32, #tpu.memory_space<hbm>>
    tpu.wait_dma2 semaphore(%arg5 : memref<!tpu.dma_semaphore, #tpu.memory_space<semaphore_mem>>) src(%arg4 : memref<10x50x64xf32, #tpu.memory_space<vmem>>) dst(%dma_wait3A_528 : memref<10x50x64xf32, #tpu.memory_space<hbm>>)
    %dma_wait3A_529 = arith.constant 150 : i32
    %dma_wait3A_530 = arith.constant 0 : i32
    %dma_wait3A_531 = arith.constant 0 : i32
    %dma_wait3A_532 = tpu.memref_slice %arg3[%add3A, %dma_wait3A_529, %dma_wait3A_530, %dma_wait3A_531] : memref<32x200x50x64xf32, #tpu.memory_space<hbm>> -> memref<1x10x50x64xf32, #tpu.memory_space<hbm>>
    %dma_wait3A_533 = tpu.memref_squeeze %dma_wait3A_532 : memref<1x10x50x64xf32, #tpu.memory_space<hbm>> -> memref<10x50x64xf32, #tpu.memory_space<hbm>>
    %dma_wait3A_534 = arith.constant 150 : i32
    %dma_wait3A_535 = arith.constant 0 : i32
    %dma_wait3A_536 = arith.constant 0 : i32
    %dma_wait3A_537 = tpu.memref_slice %arg3[%add3A, %dma_wait3A_534, %dma_wait3A_535, %dma_wait3A_536] : memref<32x200x50x64xf32, #tpu.memory_space<hbm>> -> memref<1x10x50x64xf32, #tpu.memory_space<hbm>>
    %dma_wait3A_538 = tpu.memref_squeeze %dma_wait3A_537 : memref<1x10x50x64xf32, #tpu.memory_space<hbm>> -> memref<10x50x64xf32, #tpu.memory_space<hbm>>
    tpu.wait_dma2 semaphore(%arg5 : memref<!tpu.dma_semaphore, #tpu.memory_space<semaphore_mem>>) src(%arg4 : memref<10x50x64xf32, #tpu.memory_space<vmem>>) dst(%dma_wait3A_538 : memref<10x50x64xf32, #tpu.memory_space<hbm>>)
    %dma_wait3A_539 = arith.constant 160 : i32
    %dma_wait3A_540 = arith.constant 0 : i32
    %dma_wait3A_541 = arith.constant 0 : i32
    %dma_wait3A_542 = tpu.memref_slice %arg3[%add3A, %dma_wait3A_539, %dma_wait3A_540, %dma_wait3A_541] : memref<32x200x50x64xf32, #tpu.memory_space<hbm>> -> memref<1x10x50x64xf32, #tpu.memory_space<hbm>>
    %dma_wait3A_543 = tpu.memref_squeeze %dma_wait3A_542 : memref<1x10x50x64xf32, #tpu.memory_space<hbm>> -> memref<10x50x64xf32, #tpu.memory_space<hbm>>
    %dma_wait3A_544 = arith.constant 160 : i32
    %dma_wait3A_545 = arith.constant 0 : i32
    %dma_wait3A_546 = arith.constant 0 : i32
    %dma_wait3A_547 = tpu.memref_slice %arg3[%add3A, %dma_wait3A_544, %dma_wait3A_545, %dma_wait3A_546] : memref<32x200x50x64xf32, #tpu.memory_space<hbm>> -> memref<1x10x50x64xf32, #tpu.memory_space<hbm>>
    %dma_wait3A_548 = tpu.memref_squeeze %dma_wait3A_547 : memref<1x10x50x64xf32, #tpu.memory_space<hbm>> -> memref<10x50x64xf32, #tpu.memory_space<hbm>>
    tpu.wait_dma2 semaphore(%arg5 : memref<!tpu.dma_semaphore, #tpu.memory_space<semaphore_mem>>) src(%arg4 : memref<10x50x64xf32, #tpu.memory_space<vmem>>) dst(%dma_wait3A_548 : memref<10x50x64xf32, #tpu.memory_space<hbm>>)
    %dma_wait3A_549 = arith.constant 170 : i32
    %dma_wait3A_550 = arith.constant 0 : i32
    %dma_wait3A_551 = arith.constant 0 : i32
    %dma_wait3A_552 = tpu.memref_slice %arg3[%add3A, %dma_wait3A_549, %dma_wait3A_550, %dma_wait3A_551] : memref<32x200x50x64xf32, #tpu.memory_space<hbm>> -> memref<1x10x50x64xf32, #tpu.memory_space<hbm>>
    %dma_wait3A_553 = tpu.memref_squeeze %dma_wait3A_552 : memref<1x10x50x64xf32, #tpu.memory_space<hbm>> -> memref<10x50x64xf32, #tpu.memory_space<hbm>>
    %dma_wait3A_554 = arith.constant 170 : i32
    %dma_wait3A_555 = arith.constant 0 : i32
    %dma_wait3A_556 = arith.constant 0 : i32
    %dma_wait3A_557 = tpu.memref_slice %arg3[%add3A, %dma_wait3A_554, %dma_wait3A_555, %dma_wait3A_556] : memref<32x200x50x64xf32, #tpu.memory_space<hbm>> -> memref<1x10x50x64xf32, #tpu.memory_space<hbm>>
    %dma_wait3A_558 = tpu.memref_squeeze %dma_wait3A_557 : memref<1x10x50x64xf32, #tpu.memory_space<hbm>> -> memref<10x50x64xf32, #tpu.memory_space<hbm>>
    tpu.wait_dma2 semaphore(%arg5 : memref<!tpu.dma_semaphore, #tpu.memory_space<semaphore_mem>>) src(%arg4 : memref<10x50x64xf32, #tpu.memory_space<vmem>>) dst(%dma_wait3A_558 : memref<10x50x64xf32, #tpu.memory_space<hbm>>)
    %dma_wait3A_559 = arith.constant 180 : i32
    %dma_wait3A_560 = arith.constant 0 : i32
    %dma_wait3A_561 = arith.constant 0 : i32
    %dma_wait3A_562 = tpu.memref_slice %arg3[%add3A, %dma_wait3A_559, %dma_wait3A_560, %dma_wait3A_561] : memref<32x200x50x64xf32, #tpu.memory_space<hbm>> -> memref<1x10x50x64xf32, #tpu.memory_space<hbm>>
    %dma_wait3A_563 = tpu.memref_squeeze %dma_wait3A_562 : memref<1x10x50x64xf32, #tpu.memory_space<hbm>> -> memref<10x50x64xf32, #tpu.memory_space<hbm>>
    %dma_wait3A_564 = arith.constant 180 : i32
    %dma_wait3A_565 = arith.constant 0 : i32
    %dma_wait3A_566 = arith.constant 0 : i32
    %dma_wait3A_567 = tpu.memref_slice %arg3[%add3A, %dma_wait3A_564, %dma_wait3A_565, %dma_wait3A_566] : memref<32x200x50x64xf32, #tpu.memory_space<hbm>> -> memref<1x10x50x64xf32, #tpu.memory_space<hbm>>
    %dma_wait3A_568 = tpu.memref_squeeze %dma_wait3A_567 : memref<1x10x50x64xf32, #tpu.memory_space<hbm>> -> memref<10x50x64xf32, #tpu.memory_space<hbm>>
    tpu.wait_dma2 semaphore(%arg5 : memref<!tpu.dma_semaphore, #tpu.memory_space<semaphore_mem>>) src(%arg4 : memref<10x50x64xf32, #tpu.memory_space<vmem>>) dst(%dma_wait3A_568 : memref<10x50x64xf32, #tpu.memory_space<hbm>>)
    %dma_wait3A_569 = arith.constant 190 : i32
    %dma_wait3A_570 = arith.constant 0 : i32
    %dma_wait3A_571 = arith.constant 0 : i32
    %dma_wait3A_572 = tpu.memref_slice %arg3[%add3A, %dma_wait3A_569, %dma_wait3A_570, %dma_wait3A_571] : memref<32x200x50x64xf32, #tpu.memory_space<hbm>> -> memref<1x10x50x64xf32, #tpu.memory_space<hbm>>
    %dma_wait3A_573 = tpu.memref_squeeze %dma_wait3A_572 : memref<1x10x50x64xf32, #tpu.memory_space<hbm>> -> memref<10x50x64xf32, #tpu.memory_space<hbm>>
    %dma_wait3A_574 = arith.constant 190 : i32
    %dma_wait3A_575 = arith.constant 0 : i32
    %dma_wait3A_576 = arith.constant 0 : i32
    %dma_wait3A_577 = tpu.memref_slice %arg3[%add3A, %dma_wait3A_574, %dma_wait3A_575, %dma_wait3A_576] : memref<32x200x50x64xf32, #tpu.memory_space<hbm>> -> memref<1x10x50x64xf32, #tpu.memory_space<hbm>>
    %dma_wait3A_578 = tpu.memref_squeeze %dma_wait3A_577 : memref<1x10x50x64xf32, #tpu.memory_space<hbm>> -> memref<10x50x64xf32, #tpu.memory_space<hbm>>
    tpu.wait_dma2 semaphore(%arg5 : memref<!tpu.dma_semaphore, #tpu.memory_space<semaphore_mem>>) src(%arg4 : memref<10x50x64xf32, #tpu.memory_space<vmem>>) dst(%dma_wait3A_578 : memref<10x50x64xf32, #tpu.memory_space<hbm>>)
    return
  }
}

</mosaic_0001>

<sc_bundles>
// kernel: kernel.3.cloned.1.call-start
scs
__scs_entry_jumppad:
0x0: {  	(pc) =	sbr.rel $0x88, $3  }
0x1: {  	(tag) =	ssettag $0x0;
	lr =	simm.s32 $0x1  }
0x2: {  	[smem:$0x3FA0] =	sst lr;
	_ =	strace $0xD0000000  }
0x3: {  	_ = 	snop  }
0x4: {  	_ = 	snop  }
0x5: {  	_ = 	snop  }
0x6: {  	_ = 	snop  }
0x7: {  	_ = 	snop  }
__scs_overlays_trampoline_lowered:
0x8: {  	[smem:$0x3FAF] =	sst s0  }
0x9: {  	[smem:$0x3FB0] =	sst s1  }
0xa: {  	[smem:$0x3FB1] =	sst s2  }
0xb: {  	[smem:$0x3FB2] =	sst s3  }
0xc: {  	[smem:$0x3FB3] =	sst s4  }
0xd: {  	[smem:$0x3FB4] =	sst s5  }
0xe: {  	[smem:$0x3FB5] =	sst s6  }
0xf: {  	[smem:$0x3FB6] =	sst s7  }
0x10: {  	[smem:$0x3FB7] =	sst s8  }
0x11: {  	[smem:$0x3FB8] =	sst s9;
	s0 =	simm.s32 @!p0 $0x0  }
0x12: {  	s1 =	sld [smem:$0x3F9E];
	s0 =	simm.s32 @p0 $0x1  }
0x13: {  	[smem:$0x3FB9] =	sst s0;
	s0 =	simm.s32 @!p1 $0x0  }
0x14: {  	s2 =	sld [smem:$0x3F9D];
	s0 =	simm.s32 @p1 $0x1  }
0x15: {  	[smem:$0x3FBA] =	sst s0;
	s0 =	simm.s32 @!p2 $0x0  }
0x16: {  	s3 =	sld [smem:$0x3FDB];
	s0 =	simm.s32 @p2 $0x1  }
0x17: {  	s4 =	simm.s32 $0x1BF5;
	[smem:$0x3FBC] =	sst s0  }
0x18: {  	s0 =	sld [smem:$0x3F9F];
	_ =	swait.ge [sflag:s4], $0x0  }
0x19: {  	s7 =	sld [smem:$0x3FA0]  }
0x1a: {  	s8 =	sadd.s32 $0xFFFFE003, lr  }
0x1b: {  	s9 =	sadd.s32 $0xFFFFFEF7, lr;
	s5 =	simm.s32 $0xFFFFFFFF;
	p2 =	slt.u32 s8, $0xFFFFF086  }
0x1c: {  	p1 =	slt.u32 s9, $0xF7A;
	s5 =	simm.s32 @!p2 $0x0  }
0x1d: {  	s5 =	simm.s32 @p1 $0x1;
	p0 =	seq.s32 s7, s2  }
0x1e: {  	s7 =	smul.u32 @!p0 $0xF7A, s2;
	p2 =	seq.s32 @!p0 s5, $0x0  }
0x1f: {  	s9 =	smul.u32 $0xF7A, s1;
	s8 =	simm.s32 @!p0 $0x1BF5;
	p2 =	por !p2, p0  }
0x20: {  	[sflag:s8] =	ssyncset.s32 @!p0 $0xFFFFF086;
	s6 =	sadd.s32 @!p0 s3, s7;
	s7 =	simm.s32 @!p0 $0x108  }
0x21: {  	s3 =	sadd.s32 s3, s9;
	s6 =	sadd.s32 @!p0 $0x88, s6;
	s7 =	simm.s32 @p2 $0x1082  }
0x22: {  	[simem:s7], [sflag:s8] =	dma.local @!p0 [hbm:s6], $0xF7A  }
0x23: {  	s9 =	sor.u32 $0xD0000000, s2;
	s6 =	simm.s32 $0x108;
	_ =	swait.ge @!p0 [sflag:s8], $0x0  }
0x24: {  	s3 =	sadd.s32 $0x88, s3;
	s6 =	simm.s32 @!p1 $0x1082;
	[sflag:s4] =	ssyncset.s32 $0xFFFFF086  }
0x25: {  	[simem:s6], [sflag:s4] =	dma.local [hbm:s3], $0xF7A  }
0x26: {  	[smem:$0x3FA0] =	sst s1;
	(tag) =	ssettag s2;
	_ =	strace s9  }
0x27: {  	s1 =	sld [smem:$0x3FB0]  }
0x28: {  	s2 =	sld [smem:$0x3FB1]  }
0x29: {  	s4 =	sld [smem:$0x3FB3]  }
0x2a: {  	p0 =	seq.s32 s5, $0x0;
	s5 =	sld [smem:$0x3FB4]  }
0x2b: {  	s6 =	sld [smem:$0x3FB5]  }
0x2c: {  	s7 =	sld [smem:$0x3FB6]  }
0x2d: {  	s3 =	simm.s32 $0x108;
	s8 =	sld [smem:$0x3FB7]  }
0x2e: {  	s3 =	simm.s32 @!p0 $0x1082;
	s9 =	sld [smem:$0x3FB8]  }
0x2f: {  	lr =	sadd.s32 s0, s3;
	s0 =	sld [smem:$0x3FAF]  }
0x30: {  	s3 =	sld [smem:$0x3FB2]  }
0x31: {  	[smem:$0x3FBB] =	sst s10  }
0x32: {  	s10 =	sld [smem:$0x3FB9];
	_ =	sdelay $0x3  }
0x33: {  	p0 =	seq.s32 s10, $0x1;
	s10 =	sld [smem:$0x3FBB];
	_ =	sdelay $0x3  }
0x34: {  	[smem:$0x3FBB] =	sst s10  }
0x35: {  	s10 =	sld [smem:$0x3FBA];
	_ =	sdelay $0x3  }
0x36: {  	p1 =	seq.s32 s10, $0x1;
	s10 =	sld [smem:$0x3FBB];
	_ =	sdelay $0x3  }
0x37: {  	[smem:$0x3FBB] =	sst s10  }
0x38: {  	s10 =	sld [smem:$0x3FBC]  }
0x39: {  	_ = 	snop;
	(pc) =	sbr.ind lr, $3  }
0x3a: {  	_ = 	snop  }
0x3b: {  	_ = 	snop  }
0x3c: {  	p2 =	seq.s32 s10, $0x1;
	s10 =	sld [smem:$0x3FBB]  }
0x3d: {  	_ =	shalt  }
0x3e: {  	_ =	shalt  }
0x3f: {  	_ =	shalt  }
0x40: {  	_ =	shalt  }
0x41: {  	_ =	shalt  }
0x42: {  	_ =	shalt  }
0x43: {  	_ =	shalt  }
0x44: {  	_ =	shalt  }
0x45: {  	_ =	shalt  }
0x46: {  	_ =	shalt  }
0x47: {  	_ =	shalt  }
0x48: {  	_ =	shalt  }
0x49: {  	_ =	shalt  }
0x4a: {  	_ =	shalt  }
0x4b: {  	_ =	shalt  }
0x4c: {  	_ =	shalt  }
0x4d: {  	_ =	shalt  }
0x4e: {  	_ =	shalt  }
0x4f: {  	_ =	shalt  }
0x50: {  	_ =	shalt  }
0x51: {  	_ =	shalt  }
0x52: {  	_ =	shalt  }
0x53: {  	_ =	shalt  }
0x54: {  	_ =	shalt  }
0x55: {  	_ =	shalt  }
0x56: {  	_ =	shalt  }
0x57: {  	_ =	shalt  }
0x58: {  	_ =	shalt  }
0x59: {  	_ =	shalt  }
0x5a: {  	_ =	shalt  }
0x5b: {  	_ =	shalt  }
0x5c: {  	_ =	shalt  }
0x5d: {  	_ =	shalt  }
0x5e: {  	_ =	shalt  }
0x5f: {  	_ =	shalt  }
0x60: {  	_ =	shalt  }
0x61: {  	_ =	shalt  }
0x62: {  	_ =	shalt  }
0x63: {  	_ =	shalt  }
0x64: {  	_ =	shalt  }
0x65: {  	_ =	shalt  }
0x66: {  	_ =	shalt  }
0x67: {  	_ =	shalt  }
0x68: {  	_ =	shalt  }
0x69: {  	_ =	shalt  }
0x6a: {  	_ =	shalt  }
0x6b: {  	_ =	shalt  }
0x6c: {  	_ =	shalt  }
0x6d: {  	_ =	shalt  }
0x6e: {  	_ =	shalt  }
0x6f: {  	_ =	shalt  }
0x70: {  	_ =	shalt  }
0x71: {  	_ =	shalt  }
0x72: {  	_ =	shalt  }
0x73: {  	_ =	shalt  }
0x74: {  	_ =	shalt  }
0x75: {  	_ =	shalt  }
0x76: {  	_ =	shalt  }
0x77: {  	_ =	shalt  }
0x78: {  	_ =	shalt  }
0x79: {  	_ =	shalt  }
0x7a: {  	_ =	shalt  }
0x7b: {  	_ =	shalt  }
0x7c: {  	_ =	shalt  }
0x7d: {  	_ =	shalt  }
0x7e: {  	_ =	shalt  }
0x7f: {  	_ =	shalt  }
0x80: {  	_ =	shalt  }
0x81: {  	_ =	shalt  }
0x82: {  	_ =	shalt  }
0x83: {  	_ =	shalt  }
0x84: {  	_ =	shalt  }
0x85: {  	_ =	shalt  }
0x86: {  	_ =	shalt  }
0x87: {  	_ =	shalt  }
.Lfunc_end0:
.L_simem_size_0:
called_computation_lowered:
.L_overlay_start_0:
0x88: {  	s2 =	sld [smem:$0x3FD9]  }
0x89: {  	s3 =	sld [smem:$0x3FFE];
	_ =	sdelay $0x1  }
0x8a: {  	s1 =	srdreg.scid  }
0x8b: {  	s0 =	sand.u32 $0x1, s1  }
0x8c: {  	s17 =	sshll.u32 s0, $0xA;
	s2 =	sadd.s32 s3, s2  }
0x8d: {  	s2 =	sadd.s32 s2, s17  }
0x8e: {  	[smem:$0x3FC7] =	sst s2  }
0x8f: {  	_ = 	snop  }
0x90: {  	s2 =	sld [smem:$0x3FC9];
	(tm) =	ssettm $0x1  }
0x91: {  	s18 =	sld [smem:$0x3FFB];
	_ =	sdelay $0x3  }
0x92: {  	_ =	strace s18  }
0x93: {  	s3 =	sld [smem:$0x3FFC];
	_ =	sdelay $0x3  }
0x94: {  	_ =	strace s3  }
0x95: {  	s3 =	sld [smem:$0x3FFD];
	_ =	sdelay $0x3  }
0x96: {  	_ =	strace s3  }
0x97: {  	_ =	strace $0x8FFFFFFF  }
0x98: {  	s19 =	sld [smem:$0x3FDB];
	_ =	sdelay $0x1  }
0x99: {  	s4 =	simm.s32 $_scs_section_size  }
0x9a: {  	s5 =	simm.s32 $_size__tile_overlayer_lowered;
	s6 =	simm.s32 $_tile_overlayer_lowered  }
0x9b: {  	s22 =	simm.s32 $0x1BFF;
	s21 =	sshll.u32 s6, $0x1;
	s3 =	sadd.s32 s4, s19  }
0x9c: {  	s7 =	simm.s32 $0x0;
	s20 =	sshll.u32 s5, $0x1;
	s5 =	sadd.s32 s21, s3  }
0x9d: {  	[timem:s7], [sflag:s22] =	dma.local [hbm:s5], s20  }
0x9e: {  	_ =	swait.ge [sflag:s22], s20  }
0x9f: {  	s4 =	ssub.s32 $0x0, s20;
	[sflag:s22] =	ssyncset.done $0x0  }
0xa0: {  	[sflag:s22] =	ssyncadd.s32 s4;
	_ =	sdelay $0x1  }
0xa1: {  	s23 =	simm.s32 $0x1B8B  }
0xa2: {  	_ =	swait.ge [sflag:s23], $0x1  }
0xa3: {  	[sflag:s23] =	ssyncset.done $0x0  }
0xa4: {  	s25 =	simm.s32 $0x1B8E;
	s24 =	sld [smem:$0x3FFE];
	[sflag:s23] =	ssyncadd.s32 $0xFFFFFFFF  }
0xa5: {  	s26 =	simm.s32 $execute0_lowered;
	[smem:$0x3FD2] =	sst s25  }
0xa6: {  	s5 =	sshll.u32 s26, $0x1;
	_ =	strace $0x80000046;
	[dreg:$0x1] =	wrdreg $0xFFFFFFFF  }
0xa7: {  	s28 =	simm.s32 $_size_execute0_lowered;
	s3 =	sadd.s32 s3, s5;
	[dreg:$0x0] =	wrdreg $0x0  }
0xa8: {  	s5 =	sshll.u32 s28, $0x1;
	[dreg:$0x2] =	wrdreg s3  }
0xa9: {  	[dreg:$0x3] =	wrdreg s5  }
0xaa: {  	[dreg:$0x4] =	wrdreg $0xC0  }
0xab: {  	_ =	task [dreg:s7], $0x5FFFF  }
0xac: {  	[dreg:$0x1] =	wrdreg $0xFFFFFFFF  }
0xad: {  	[dreg:$0x0] =	wrdreg $0x60  }
0xae: {  	[dreg:$0x2] =	wrdreg s2  }
0xaf: {  	[dreg:$0x3] =	wrdreg s24  }
0xb0: {  	[dreg:$0x4] =	wrdreg $0x9  }
0xb1: {  	_ =	task.clear_ibuf [dreg:s7], $0x5FFFF;
	_ =	strace $0x90000046  }
0xb2: {  	s29 =	simm.s32 $0x9;
	_ =	strace $0x80000048  }
0xb3: {  	_ =	swait.ge [sflag:s29], $0x1  }
0xb4: {  	[sflag:s29] =	ssyncadd.s32 $0xFFFFFFFF  }
0xb5: {  	_ =	strace $0x90000048  }
0xb6: {  	_ =	sfence  }
0xb7: {  	s30 =	sld [smem:$0x0];
	_ =	sdelay $0x2  }
0xb8: {  	s31 =	sshll.u32 s1, $0xD;
	s1 =	sshrl.u32 s1, $0x2  }
0xb9: {  	s3 =	sand.u32 $0x4000, s31;
	s1 =	sadd.s32 s1, s30  }
0xba: {  	s0 =	sor.u32 s3, s0;
	s1 =	sshll.u32 s1, $0x11  }
0xbb: {  	s0 =	sor.u32 s1, s0  }
0xbc: {  	s0 =	sadd.s32 $0x8F2B, s0  }
0xbd: {  	[sflag:s0] =	ssyncadd.remote.s32 $0x1  }
0xbe: {  	_ =	sfence.sel $0xFFFF  }
0xbf: {  	[dreg:$0x0] =	wrdreg $0xFFFFFFFF;
	(pc) =	sbr.abs _section_cstart, $3  }
0xc0: {  	[dreg:$0x1] =	wrdreg $0xFFFFFFFF  }
0xc1: {  	_ =	task.clear_ibuf [dreg:s7], $0x2FFFF;
	_ =	strace $0x9FFFFFFF  }
0xc2: {  	(tm) =	ssettm $0x7FFFFFFF  }
0xc3: {  	_ =	shalt  }
tec
execute0_lowered:
.L_overlay_start_1:
0x0: {  	(tag) =	ssettag $0x1  }
0x1: {  	s1 =	rddreg [dreg:$0x0];
	s2 =	simm.s32 $0x0  }
0x2: {  	[smem:$0x7FF] =	sst s2  }
0x3: {  	s0 =	rddreg [dreg:$0x1];
	_ =	strace $0x80000047  }
0x4: {  	[tilespmem:s2], [sflag:$0x1] =	stream.linear.gather [hbm4b:s1+s2], $0x1900, $0x38;
	[tilespmem:$0x11800] =	vst v63  }
0x5: {  	s3 =	simm.s32 $0x1C00  }
0x6: {  	[tilespmem:s3], [sflag:$0x1] =	stream.linear.gather [hbm4b:s1+s2], $0x1900, $0x38;
	[tilespmem:$0x11800] =	vst v63  }
0x7: {  	s4 =	simm.s32 $0x3800  }
0x8: {  	[tilespmem:s4], [sflag:$0x1] =	stream.linear.gather [hbm4b:s1+s2], $0x1900, $0x38;
	[tilespmem:$0x11800] =	vst v63  }
0x9: {  	s5 =	simm.s32 $0x5400  }
0xa: {  	[tilespmem:s5], [sflag:$0x1] =	stream.linear.gather [hbm4b:s1+s2], $0x1900, $0x38;
	[tilespmem:$0x11800] =	vst v63  }
0xb: {  	s6 =	simm.s32 $0x7000  }
0xc: {  	[tilespmem:s6], [sflag:$0x1] =	stream.linear.gather [hbm4b:s1+s2], $0x1900, $0x38;
	[tilespmem:$0x11800] =	vst v63  }
0xd: {  	s7 =	simm.s32 $0x8C00  }
0xe: {  	[tilespmem:s7], [sflag:$0x1] =	stream.linear.gather [hbm4b:s1+s2], $0x1900, $0x38;
	[tilespmem:$0x11800] =	vst v63  }
0xf: {  	s8 =	simm.s32 $0xA800  }
0x10: {  	[tilespmem:s8], [sflag:$0x1] =	stream.linear.gather [hbm4b:s1+s2], $0x1900, $0x38;
	[tilespmem:$0x11800] =	vst v63  }
0x11: {  	s9 =	simm.s32 $0xC400  }
0x12: {  	[tilespmem:s9], [sflag:$0x1] =	stream.linear.gather [hbm4b:s1+s2], $0x1900, $0x38;
	[tilespmem:$0x11800] =	vst v63  }
0x13: {  	s10 =	simm.s32 $0xE000  }
0x14: {  	[tilespmem:s10], [sflag:$0x1] =	stream.linear.gather [hbm4b:s1+s2], $0x1900, $0x38;
	[tilespmem:$0x11800] =	vst v63  }
0x15: {  	s12 =	simm.s32 $0xFC00;
	s11 =	simm.s32 $0x1  }
0x16: {  	[tilespmem:s12], [sflag:$0x1] =	stream.linear.gather [hbm4b:s1+s2], $0x1900, $0x38;
	[tilespmem:$0x11800] =	vst v63  }
0x17: {  	_ =	swait.ge [sflag:s11], $0x1900  }
0x18: {  	[sflag:s11] =	ssyncset.done $0x0  }
0x19: {  	[sflag:s11] =	ssyncadd.s32 $0xFFFFE700  }
0x1a: {  	_ =	swait.ge [sflag:s11], $0x1900  }
0x1b: {  	[sflag:s11] =	ssyncset.done $0x0  }
0x1c: {  	[sflag:s11] =	ssyncadd.s32 $0xFFFFE700  }
0x1d: {  	_ =	swait.ge [sflag:s11], $0x1900  }
0x1e: {  	[sflag:s11] =	ssyncset.done $0x0  }
0x1f: {  	[sflag:s11] =	ssyncadd.s32 $0xFFFFE700  }
0x20: {  	_ =	swait.ge [sflag:s11], $0x1900  }
0x21: {  	[sflag:s11] =	ssyncset.done $0x0  }
0x22: {  	[sflag:s11] =	ssyncadd.s32 $0xFFFFE700  }
0x23: {  	_ =	swait.ge [sflag:s11], $0x1900  }
0x24: {  	[sflag:s11] =	ssyncset.done $0x0  }
0x25: {  	[sflag:s11] =	ssyncadd.s32 $0xFFFFE700  }
0x26: {  	_ =	swait.ge [sflag:s11], $0x1900  }
0x27: {  	[sflag:s11] =	ssyncset.done $0x0  }
0x28: {  	[sflag:s11] =	ssyncadd.s32 $0xFFFFE700  }
0x29: {  	_ =	swait.ge [sflag:s11], $0x1900  }
0x2a: {  	[sflag:s11] =	ssyncset.done $0x0  }
0x2b: {  	[sflag:s11] =	ssyncadd.s32 $0xFFFFE700  }
0x2c: {  	_ =	swait.ge [sflag:s11], $0x1900  }
0x2d: {  	s13 =	srdreg.scid;
	s14 =	stileid.u32;
	[sflag:s11] =	ssyncset.done $0x0  }
0x2e: {  	s30 =	sand.u32 $0x1, s13;
	s14 =	sshll.u32 s14, $0x1;
	[sflag:s11] =	ssyncadd.s32 $0xFFFFE700  }
0x2f: {  	s13 =	sor.u32 s30, s14;
	_ =	swait.ge [sflag:s11], $0x1900  }
0x30: {  	s13 =	smul.u32 $0x15E000, s13;
	[sflag:s11] =	ssyncset.done $0x0  }
0x31: {  	[sflag:s11] =	ssyncadd.s32 $0xFFFFE700  }
0x32: {  	s13 =	sshrl.u32 s13, $0x3;
	_ =	swait.ge [sflag:s11], $0x1900  }
0x33: {  	s14 =	sadd.s32 s13, s0;
	[sflag:s11] =	ssyncset.done $0x0  }
0x34: {  	s0 =	sadd.s32 $0x400, s14;
	[sflag:s11] =	ssyncadd.s32 $0xFFFFE700  }
0x35: {  	[hbm4b:s0+s2] =	stream.linear.scatter [tilespmem:s2], [sflag:$0x1], $0x1900, $0x38;
	[tilespmem:$0x11800] =	vst v63  }
0x36: {  	s15 =	sadd.s32 $0x380, s0  }
0x37: {  	[hbm4b:s15+s2] =	stream.linear.scatter [tilespmem:s3], [sflag:$0x1], $0x1900, $0x38;
	[tilespmem:$0x11800] =	vst v63  }
0x38: {  	s16 =	sadd.s32 $0x700, s0  }
0x39: {  	[hbm4b:s16+s2] =	stream.linear.scatter [tilespmem:s4], [sflag:$0x1], $0x1900, $0x38;
	[tilespmem:$0x11800] =	vst v63  }
0x3a: {  	s17 =	sadd.s32 $0xA80, s0  }
0x3b: {  	[hbm4b:s17+s2] =	stream.linear.scatter [tilespmem:s5], [sflag:$0x1], $0x1900, $0x38;
	[tilespmem:$0x11800] =	vst v63  }
0x3c: {  	s18 =	sadd.s32 $0xE00, s0  }
0x3d: {  	[hbm4b:s18+s2] =	stream.linear.scatter [tilespmem:s6], [sflag:$0x1], $0x1900, $0x38;
	[tilespmem:$0x11800] =	vst v63  }
0x3e: {  	s19 =	sadd.s32 $0x1180, s0  }
0x3f: {  	[hbm4b:s19+s2] =	stream.linear.scatter [tilespmem:s7], [sflag:$0x1], $0x1900, $0x38;
	[tilespmem:$0x11800] =	vst v63  }
0x40: {  	s20 =	sadd.s32 $0x1500, s0  }
0x41: {  	[hbm4b:s20+s2] =	stream.linear.scatter [tilespmem:s8], [sflag:$0x1], $0x1900, $0x38;
	[tilespmem:$0x11800] =	vst v63  }
0x42: {  	s21 =	sadd.s32 $0x1880, s0  }
0x43: {  	[hbm4b:s21+s2] =	stream.linear.scatter [tilespmem:s9], [sflag:$0x1], $0x1900, $0x38;
	[tilespmem:$0x11800] =	vst v63  }
0x44: {  	s22 =	sadd.s32 $0x1C00, s0  }
0x45: {  	[hbm4b:s22+s2] =	stream.linear.scatter [tilespmem:s10], [sflag:$0x1], $0x1900, $0x38;
	[tilespmem:$0x11800] =	vst v63  }
0x46: {  	[dreg:$0x3] =	wrdreg s0;
	s0 =	sadd.s32 $0x1F80, s0  }
0x47: {  	[hbm4b:s0+s2] =	stream.linear.scatter [tilespmem:s12], [sflag:$0x1], $0x1900, $0x38;
	[tilespmem:$0x11800] =	vst v63  }
0x48: {  	s23 =	sadd.s32 $0x2700, s14  }
0x49: {  	[hbm4b:s23+s2] =	stream.linear.scatter [tilespmem:s2], [sflag:$0x1], $0x1900, $0x38;
	[tilespmem:$0x11800] =	vst v63  }
0x4a: {  	s24 =	sadd.s32 $0x380, s23  }
0x4b: {  	[hbm4b:s24+s2] =	stream.linear.scatter [tilespmem:s3], [sflag:$0x1], $0x1900, $0x38;
	[tilespmem:$0x11800] =	vst v63  }
0x4c: {  	s25 =	sadd.s32 $0x700, s23  }
0x4d: {  	[hbm4b:s25+s2] =	stream.linear.scatter [tilespmem:s4], [sflag:$0x1], $0x1900, $0x38;
	[tilespmem:$0x11800] =	vst v63  }
0x4e: {  	s26 =	sadd.s32 $0xA80, s23  }
0x4f: {  	[hbm4b:s26+s2] =	stream.linear.scatter [tilespmem:s5], [sflag:$0x1], $0x1900, $0x38;
	[tilespmem:$0x11800] =	vst v63  }
0x50: {  	[dreg:$0x4] =	wrdreg s15;
	s15 =	sadd.s32 $0xE00, s23  }
0x51: {  	[hbm4b:s15+s2] =	stream.linear.scatter [tilespmem:s6], [sflag:$0x1], $0x1900, $0x38;
	[tilespmem:$0x11800] =	vst v63  }
0x52: {  	[dreg:$0x5] =	wrdreg s16;
	s16 =	sadd.s32 $0x1180, s23  }
0x53: {  	[hbm4b:s16+s2] =	stream.linear.scatter [tilespmem:s7], [sflag:$0x1], $0x1900, $0x38;
	[tilespmem:$0x11800] =	vst v63  }
0x54: {  	[dreg:$0x6] =	wrdreg s17;
	s17 =	sadd.s32 $0x1500, s23  }
0x55: {  	[hbm4b:s17+s2] =	stream.linear.scatter [tilespmem:s8], [sflag:$0x1], $0x1900, $0x38;
	[tilespmem:$0x11800] =	vst v63  }
0x56: {  	[dreg:$0x7] =	wrdreg s18;
	s18 =	sadd.s32 $0x1880, s23  }
0x57: {  	[hbm4b:s18+s2] =	stream.linear.scatter [tilespmem:s9], [sflag:$0x1], $0x1900, $0x38;
	[tilespmem:$0x11800] =	vst v63  }
0x58: {  	[dreg:$0x8] =	wrdreg s19;
	s19 =	sadd.s32 $0x1C00, s23  }
0x59: {  	[hbm4b:s19+s2] =	stream.linear.scatter [tilespmem:s10], [sflag:$0x1], $0x1900, $0x38;
	[tilespmem:$0x11800] =	vst v63  }
0x5a: {  	[dreg:$0xc] =	wrdreg s0;
	s0 =	sadd.s32 $0x1F80, s23  }
0x5b: {  	[hbm4b:s0+s2] =	stream.linear.scatter [tilespmem:s12], [sflag:$0x1], $0x1900, $0x38;
	[tilespmem:$0x11800] =	vst v63  }
0x5c: {  	[dreg:$0x9] =	wrdreg s20;
	s20 =	sadd.s32 $0x4A00, s14  }
0x5d: {  	[hbm4b:s20+s2] =	stream.linear.scatter [tilespmem:s2], [sflag:$0x1], $0x1900, $0x38;
	[tilespmem:$0x11800] =	vst v63  }
0x5e: {  	[dreg:$0xa] =	wrdreg s21;
	s21 =	sadd.s32 $0x380, s20  }
0x5f: {  	[hbm4b:s21+s2] =	stream.linear.scatter [tilespmem:s3], [sflag:$0x1], $0x1900, $0x38;
	[tilespmem:$0x11800] =	vst v63  }
0x60: {  	[dreg:$0xb] =	wrdreg s22;
	s22 =	sadd.s32 $0x700, s20  }
0x61: {  	[hbm4b:s22+s2] =	stream.linear.scatter [tilespmem:s4], [sflag:$0x1], $0x1900, $0x38;
	[tilespmem:$0x11800] =	vst v63  }
0x62: {  	[dreg:$0xd] =	wrdreg s23;
	s23 =	sadd.s32 $0xA80, s20  }
0x63: {  	[hbm4b:s23+s2] =	stream.linear.scatter [tilespmem:s5], [sflag:$0x1], $0x1900, $0x38;
	[tilespmem:$0x11800] =	vst v63  }
0x64: {  	[dreg:$0xe] =	wrdreg s24;
	s24 =	sadd.s32 $0xE00, s20  }
0x65: {  	[hbm4b:s24+s2] =	stream.linear.scatter [tilespmem:s6], [sflag:$0x1], $0x1900, $0x38;
	[tilespmem:$0x11800] =	vst v63  }
0x66: {  	[dreg:$0xf] =	wrdreg s25;
	s25 =	sadd.s32 $0x1180, s20  }
0x67: {  	[hbm4b:s25+s2] =	stream.linear.scatter [tilespmem:s7], [sflag:$0x1], $0x1900, $0x38;
	[tilespmem:$0x11800] =	vst v63  }
0x68: {  	[dreg:$0x10] =	wrdreg s26;
	s26 =	sadd.s32 $0x1500, s20  }
0x69: {  	[hbm4b:s26+s2] =	stream.linear.scatter [tilespmem:s8], [sflag:$0x1], $0x1900, $0x38;
	[tilespmem:$0x11800] =	vst v63  }
0x6a: {  	[dreg:$0x11] =	wrdreg s15;
	s15 =	sadd.s32 $0x1880, s20  }
0x6b: {  	[hbm4b:s15+s2] =	stream.linear.scatter [tilespmem:s9], [sflag:$0x1], $0x1900, $0x38;
	[tilespmem:$0x11800] =	vst v63  }
0x6c: {  	[dreg:$0x12] =	wrdreg s16;
	s16 =	sadd.s32 $0x1C00, s20  }
0x6d: {  	[hbm4b:s16+s2] =	stream.linear.scatter [tilespmem:s10], [sflag:$0x1], $0x1900, $0x38;
	[tilespmem:$0x11800] =	vst v63  }
0x6e: {  	[dreg:$0x16] =	wrdreg s0;
	s0 =	sadd.s32 $0x1F80, s20  }
0x6f: {  	[hbm4b:s0+s2] =	stream.linear.scatter [tilespmem:s12], [sflag:$0x1], $0x1900, $0x38;
	[tilespmem:$0x11800] =	vst v63  }
0x70: {  	[dreg:$0x13] =	wrdreg s17;
	s17 =	sadd.s32 $0x6D00, s14  }
0x71: {  	[hbm4b:s17+s2] =	stream.linear.scatter [tilespmem:s2], [sflag:$0x1], $0x1900, $0x38;
	[tilespmem:$0x11800] =	vst v63  }
0x72: {  	[dreg:$0x14] =	wrdreg s18;
	s18 =	sadd.s32 $0x380, s17  }
0x73: {  	[hbm4b:s18+s2] =	stream.linear.scatter [tilespmem:s3], [sflag:$0x1], $0x1900, $0x38;
	[tilespmem:$0x11800] =	vst v63  }
0x74: {  	[dreg:$0x15] =	wrdreg s19;
	s19 =	sadd.s32 $0x700, s17  }
0x75: {  	[hbm4b:s19+s2] =	stream.linear.scatter [tilespmem:s4], [sflag:$0x1], $0x1900, $0x38;
	[tilespmem:$0x11800] =	vst v63  }
0x76: {  	[dreg:$0x17] =	wrdreg s20;
	s20 =	sadd.s32 $0xA80, s17  }
0x77: {  	[hbm4b:s20+s2] =	stream.linear.scatter [tilespmem:s5], [sflag:$0x1], $0x1900, $0x38;
	[tilespmem:$0x11800] =	vst v63  }
0x78: {  	[dreg:$0x18] =	wrdreg s21;
	s21 =	sadd.s32 $0xE00, s17  }
0x79: {  	[hbm4b:s21+s2] =	stream.linear.scatter [tilespmem:s6], [sflag:$0x1], $0x1900, $0x38;
	[tilespmem:$0x11800] =	vst v63  }
0x7a: {  	[dreg:$0x19] =	wrdreg s22;
	s22 =	sadd.s32 $0x1180, s17  }
0x7b: {  	[hbm4b:s22+s2] =	stream.linear.scatter [tilespmem:s7], [sflag:$0x1], $0x1900, $0x38;
	[tilespmem:$0x11800] =	vst v63  }
0x7c: {  	[dreg:$0x1a] =	wrdreg s23;
	s23 =	sadd.s32 $0x1500, s17  }
0x7d: {  	[hbm4b:s23+s2] =	stream.linear.scatter [tilespmem:s8], [sflag:$0x1], $0x1900, $0x38;
	[tilespmem:$0x11800] =	vst v63  }
0x7e: {  	[dreg:$0x1b] =	wrdreg s24;
	s24 =	sadd.s32 $0x1880, s17  }
0x7f: {  	[hbm4b:s24+s2] =	stream.linear.scatter [tilespmem:s9], [sflag:$0x1], $0x1900, $0x38;
	[tilespmem:$0x11800] =	vst v63  }
0x80: {  	[dreg:$0x1c] =	wrdreg s25;
	s25 =	sadd.s32 $0x1C00, s17  }
0x81: {  	[hbm4b:s25+s2] =	stream.linear.scatter [tilespmem:s10], [sflag:$0x1], $0x1900, $0x38;
	[tilespmem:$0x11800] =	vst v63  }
0x82: {  	[smem:$0x764] =	sst s0;
	s0 =	sadd.s32 $0x1F80, s17  }
0x83: {  	[hbm4b:s0+s2] =	stream.linear.scatter [tilespmem:s12], [sflag:$0x1], $0x1900, $0x38;
	[tilespmem:$0x11800] =	vst v63  }
0x84: {  	[dreg:$0x1d] =	wrdreg s26;
	s26 =	sadd.s32 $0x9000, s14  }
0x85: {  	[hbm4b:s26+s2] =	stream.linear.scatter [tilespmem:s2], [sflag:$0x1], $0x1900, $0x38;
	[tilespmem:$0x11800] =	vst v63  }
0x86: {  	[dreg:$0x1e] =	wrdreg s15;
	s15 =	sadd.s32 $0x380, s26  }
0x87: {  	[hbm4b:s15+s2] =	stream.linear.scatter [tilespmem:s3], [sflag:$0x1], $0x1900, $0x38;
	[tilespmem:$0x11800] =	vst v63  }
0x88: {  	[dreg:$0x1f] =	wrdreg s16;
	s16 =	sadd.s32 $0x700, s26  }
0x89: {  	[hbm4b:s16+s2] =	stream.linear.scatter [tilespmem:s4], [sflag:$0x1], $0x1900, $0x38;
	[tilespmem:$0x11800] =	vst v63  }
0x8a: {  	[smem:$0x76D] =	sst s17;
	s17 =	sadd.s32 $0xA80, s26  }
0x8b: {  	[hbm4b:s17+s2] =	stream.linear.scatter [tilespmem:s5], [sflag:$0x1], $0x1900, $0x38;
	[tilespmem:$0x11800] =	vst v63  }
0x8c: {  	[smem:$0x765] =	sst s18;
	s18 =	sadd.s32 $0xE00, s26  }
0x8d: {  	[hbm4b:s18+s2] =	stream.linear.scatter [tilespmem:s6], [sflag:$0x1], $0x1900, $0x38;
	[tilespmem:$0x11800] =	vst v63  }
0x8e: {  	[smem:$0x766] =	sst s19;
	s19 =	sadd.s32 $0x1180, s26  }
0x8f: {  	[hbm4b:s19+s2] =	stream.linear.scatter [tilespmem:s7], [sflag:$0x1], $0x1900, $0x38;
	[tilespmem:$0x11800] =	vst v63  }
0x90: {  	[smem:$0x767] =	sst s20;
	s20 =	sadd.s32 $0x1500, s26  }
0x91: {  	[hbm4b:s20+s2] =	stream.linear.scatter [tilespmem:s8], [sflag:$0x1], $0x1900, $0x38;
	[tilespmem:$0x11800] =	vst v63  }
0x92: {  	[smem:$0x768] =	sst s21;
	s21 =	sadd.s32 $0x1880, s26  }
0x93: {  	[hbm4b:s21+s2] =	stream.linear.scatter [tilespmem:s9], [sflag:$0x1], $0x1900, $0x38;
	[tilespmem:$0x11800] =	vst v63  }
0x94: {  	[smem:$0x769] =	sst s22;
	s22 =	sadd.s32 $0x1C00, s26  }
0x95: {  	[hbm4b:s22+s2] =	stream.linear.scatter [tilespmem:s10], [sflag:$0x1], $0x1900, $0x38;
	[tilespmem:$0x11800] =	vst v63  }
0x96: {  	[smem:$0x76E] =	sst s0;
	s0 =	sadd.s32 $0x1F80, s26  }
0x97: {  	[hbm4b:s0+s2] =	stream.linear.scatter [tilespmem:s12], [sflag:$0x1], $0x1900, $0x38;
	[tilespmem:$0x11800] =	vst v63  }
0x98: {  	[smem:$0x76A] =	sst s23;
	s23 =	sadd.s32 $0xB300, s14  }
0x99: {  	[hbm4b:s23+s2] =	stream.linear.scatter [tilespmem:s2], [sflag:$0x1], $0x1900, $0x38;
	[tilespmem:$0x11800] =	vst v63  }
0x9a: {  	[smem:$0x76B] =	sst s24;
	s24 =	sadd.s32 $0x380, s23  }
0x9b: {  	[hbm4b:s24+s2] =	stream.linear.scatter [tilespmem:s3], [sflag:$0x1], $0x1900, $0x38;
	[tilespmem:$0x11800] =	vst v63  }
0x9c: {  	[smem:$0x76C] =	sst s25;
	s25 =	sadd.s32 $0x700, s23  }
0x9d: {  	[hbm4b:s25+s2] =	stream.linear.scatter [tilespmem:s4], [sflag:$0x1], $0x1900, $0x38;
	[tilespmem:$0x11800] =	vst v63  }
0x9e: {  	[smem:$0x777] =	sst s26;
	s26 =	sadd.s32 $0xA80, s23  }
0x9f: {  	[hbm4b:s26+s2] =	stream.linear.scatter [tilespmem:s5], [sflag:$0x1], $0x1900, $0x38;
	[tilespmem:$0x11800] =	vst v63  }
0xa0: {  	[smem:$0x76F] =	sst s15;
	s15 =	sadd.s32 $0xE00, s23  }
0xa1: {  	[hbm4b:s15+s2] =	stream.linear.scatter [tilespmem:s6], [sflag:$0x1], $0x1900, $0x38;
	[tilespmem:$0x11800] =	vst v63  }
0xa2: {  	[smem:$0x770] =	sst s16;
	s16 =	sadd.s32 $0x1180, s23  }
0xa3: {  	[hbm4b:s16+s2] =	stream.linear.scatter [tilespmem:s7], [sflag:$0x1], $0x1900, $0x38;
	[tilespmem:$0x11800] =	vst v63  }
0xa4: {  	[smem:$0x771] =	sst s17;
	s17 =	sadd.s32 $0x1500, s23  }
0xa5: {  	[hbm4b:s17+s2] =	stream.linear.scatter [tilespmem:s8], [sflag:$0x1], $0x1900, $0x38;
	[tilespmem:$0x11800] =	vst v63  }
0xa6: {  	[smem:$0x772] =	sst s18;
	s18 =	sadd.s32 $0x1880, s23  }
0xa7: {  	[hbm4b:s18+s2] =	stream.linear.scatter [tilespmem:s9], [sflag:$0x1], $0x1900, $0x38;
	[tilespmem:$0x11800] =	vst v63  }
0xa8: {  	[smem:$0x773] =	sst s19;
	s19 =	sadd.s32 $0x1C00, s23  }
0xa9: {  	[hbm4b:s19+s2] =	stream.linear.scatter [tilespmem:s10], [sflag:$0x1], $0x1900, $0x38;
	[tilespmem:$0x11800] =	vst v63  }
0xaa: {  	[smem:$0x778] =	sst s0;
	s0 =	sadd.s32 $0x1F80, s23  }
0xab: {  	[hbm4b:s0+s2] =	stream.linear.scatter [tilespmem:s12], [sflag:$0x1], $0x1900, $0x38;
	[tilespmem:$0x11800] =	vst v63  }
0xac: {  	[smem:$0x774] =	sst s20;
	s20 =	sadd.s32 $0xD600, s14  }
0xad: {  	[hbm4b:s20+s2] =	stream.linear.scatter [tilespmem:s2], [sflag:$0x1], $0x1900, $0x38;
	[tilespmem:$0x11800] =	vst v63  }
0xae: {  	[smem:$0x775] =	sst s21;
	s21 =	sadd.s32 $0x380, s20  }
0xaf: {  	[hbm4b:s21+s2] =	stream.linear.scatter [tilespmem:s3], [sflag:$0x1], $0x1900, $0x38;
	[tilespmem:$0x11800] =	vst v63  }
0xb0: {  	[smem:$0x776] =	sst s22;
	s22 =	sadd.s32 $0x700, s20  }
0xb1: {  	[hbm4b:s22+s2] =	stream.linear.scatter [tilespmem:s4], [sflag:$0x1], $0x1900, $0x38;
	[tilespmem:$0x11800] =	vst v63  }
0xb2: {  	[smem:$0x781] =	sst s23;
	s23 =	sadd.s32 $0xA80, s20  }
0xb3: {  	[hbm4b:s23+s2] =	stream.linear.scatter [tilespmem:s5], [sflag:$0x1], $0x1900, $0x38;
	[tilespmem:$0x11800] =	vst v63  }
0xb4: {  	[smem:$0x779] =	sst s24;
	s24 =	sadd.s32 $0xE00, s20  }
0xb5: {  	[hbm4b:s24+s2] =	stream.linear.scatter [tilespmem:s6], [sflag:$0x1], $0x1900, $0x38;
	[tilespmem:$0x11800] =	vst v63  }
0xb6: {  	[smem:$0x77A] =	sst s25;
	s25 =	sadd.s32 $0x1180, s20  }
0xb7: {  	[hbm4b:s25+s2] =	stream.linear.scatter [tilespmem:s7], [sflag:$0x1], $0x1900, $0x38;
	[tilespmem:$0x11800] =	vst v63  }
0xb8: {  	[smem:$0x77B] =	sst s26;
	s26 =	sadd.s32 $0x1500, s20  }
0xb9: {  	[hbm4b:s26+s2] =	stream.linear.scatter [tilespmem:s8], [sflag:$0x1], $0x1900, $0x38;
	[tilespmem:$0x11800] =	vst v63  }
0xba: {  	[smem:$0x77C] =	sst s15;
	s15 =	sadd.s32 $0x1880, s20  }
0xbb: {  	[hbm4b:s15+s2] =	stream.linear.scatter [tilespmem:s9], [sflag:$0x1], $0x1900, $0x38;
	[tilespmem:$0x11800] =	vst v63  }
0xbc: {  	[smem:$0x77D] =	sst s16;
	s16 =	sadd.s32 $0x1C00, s20  }
0xbd: {  	[hbm4b:s16+s2] =	stream.linear.scatter [tilespmem:s10], [sflag:$0x1], $0x1900, $0x38;
	[tilespmem:$0x11800] =	vst v63  }
0xbe: {  	[smem:$0x782] =	sst s0;
	s0 =	sadd.s32 $0x1F80, s20  }
0xbf: {  	[hbm4b:s0+s2] =	stream.linear.scatter [tilespmem:s12], [sflag:$0x1], $0x1900, $0x38;
	[tilespmem:$0x11800] =	vst v63  }
0xc0: {  	[smem:$0x77E] =	sst s17;
	s17 =	sadd.s32 $0xF900, s14  }
0xc1: {  	[hbm4b:s17+s2] =	stream.linear.scatter [tilespmem:s2], [sflag:$0x1], $0x1900, $0x38;
	[tilespmem:$0x11800] =	vst v63  }
0xc2: {  	[smem:$0x77F] =	sst s18;
	s18 =	sadd.s32 $0x380, s17  }
0xc3: {  	[hbm4b:s18+s2] =	stream.linear.scatter [tilespmem:s3], [sflag:$0x1], $0x1900, $0x38;
	[tilespmem:$0x11800] =	vst v63  }
0xc4: {  	[smem:$0x780] =	sst s19;
	s19 =	sadd.s32 $0x700, s17  }
0xc5: {  	[hbm4b:s19+s2] =	stream.linear.scatter [tilespmem:s4], [sflag:$0x1], $0x1900, $0x38;
	[tilespmem:$0x11800] =	vst v63  }
0xc6: {  	[smem:$0x78B] =	sst s20;
	s20 =	sadd.s32 $0xA80, s17  }
0xc7: {  	[hbm4b:s20+s2] =	stream.linear.scatter [tilespmem:s5], [sflag:$0x1], $0x1900, $0x38;
	[tilespmem:$0x11800] =	vst v63  }
0xc8: {  	[smem:$0x783] =	sst s21;
	s21 =	sadd.s32 $0xE00, s17  }
0xc9: {  	[hbm4b:s21+s2] =	stream.linear.scatter [tilespmem:s6], [sflag:$0x1], $0x1900, $0x38;
	[tilespmem:$0x11800] =	vst v63  }
0xca: {  	[smem:$0x784] =	sst s22;
	s22 =	sadd.s32 $0x1180, s17  }
0xcb: {  	[hbm4b:s22+s2] =	stream.linear.scatter [tilespmem:s7], [sflag:$0x1], $0x1900, $0x38;
	[tilespmem:$0x11800] =	vst v63  }
0xcc: {  	[smem:$0x785] =	sst s23;
	s23 =	sadd.s32 $0x1500, s17  }
0xcd: {  	[hbm4b:s23+s2] =	stream.linear.scatter [tilespmem:s8], [sflag:$0x1], $0x1900, $0x38;
	[tilespmem:$0x11800] =	vst v63  }
0xce: {  	[smem:$0x786] =	sst s24;
	s24 =	sadd.s32 $0x1880, s17  }
0xcf: {  	[hbm4b:s24+s2] =	stream.linear.scatter [tilespmem:s9], [sflag:$0x1], $0x1900, $0x38;
	[tilespmem:$0x11800] =	vst v63  }
0xd0: {  	[smem:$0x787] =	sst s25;
	s25 =	sadd.s32 $0x1C00, s17  }
0xd1: {  	[hbm4b:s25+s2] =	stream.linear.scatter [tilespmem:s10], [sflag:$0x1], $0x1900, $0x38;
	[tilespmem:$0x11800] =	vst v63  }
0xd2: {  	[smem:$0x78C] =	sst s0;
	s0 =	sadd.s32 $0x1F80, s17  }
0xd3: {  	[hbm4b:s0+s2] =	stream.linear.scatter [tilespmem:s12], [sflag:$0x1], $0x1900, $0x38;
	[tilespmem:$0x11800] =	vst v63  }
0xd4: {  	[smem:$0x788] =	sst s26;
	s26 =	sadd.s32 $0x11C00, s14  }
0xd5: {  	[hbm4b:s26+s2] =	stream.linear.scatter [tilespmem:s2], [sflag:$0x1], $0x1900, $0x38;
	[tilespmem:$0x11800] =	vst v63  }
0xd6: {  	[smem:$0x789] =	sst s15;
	s15 =	sadd.s32 $0x380, s26  }
0xd7: {  	[hbm4b:s15+s2] =	stream.linear.scatter [tilespmem:s3], [sflag:$0x1], $0x1900, $0x38;
	[tilespmem:$0x11800] =	vst v63  }
0xd8: {  	[smem:$0x78A] =	sst s16;
	s16 =	sadd.s32 $0x700, s26  }
0xd9: {  	[hbm4b:s16+s2] =	stream.linear.scatter [tilespmem:s4], [sflag:$0x1], $0x1900, $0x38;
	[tilespmem:$0x11800] =	vst v63  }
0xda: {  	[smem:$0x795] =	sst s17;
	s17 =	sadd.s32 $0xA80, s26  }
0xdb: {  	[hbm4b:s17+s2] =	stream.linear.scatter [tilespmem:s5], [sflag:$0x1], $0x1900, $0x38;
	[tilespmem:$0x11800] =	vst v63  }
0xdc: {  	[smem:$0x78D] =	sst s18;
	s18 =	sadd.s32 $0xE00, s26  }
0xdd: {  	[hbm4b:s18+s2] =	stream.linear.scatter [tilespmem:s6], [sflag:$0x1], $0x1900, $0x38;
	[tilespmem:$0x11800] =	vst v63  }
0xde: {  	[smem:$0x78E] =	sst s19;
	s19 =	sadd.s32 $0x1180, s26  }
0xdf: {  	[hbm4b:s19+s2] =	stream.linear.scatter [tilespmem:s7], [sflag:$0x1], $0x1900, $0x38;
	[tilespmem:$0x11800] =	vst v63  }
0xe0: {  	[smem:$0x78F] =	sst s20;
	s20 =	sadd.s32 $0x1500, s26  }
0xe1: {  	[hbm4b:s20+s2] =	stream.linear.scatter [tilespmem:s8], [sflag:$0x1], $0x1900, $0x38;
	[tilespmem:$0x11800] =	vst v63  }
0xe2: {  	[smem:$0x790] =	sst s21;
	s21 =	sadd.s32 $0x1880, s26  }
0xe3: {  	[hbm4b:s21+s2] =	stream.linear.scatter [tilespmem:s9], [sflag:$0x1], $0x1900, $0x38;
	[tilespmem:$0x11800] =	vst v63  }
0xe4: {  	[smem:$0x791] =	sst s22;
	s22 =	sadd.s32 $0x1C00, s26  }
0xe5: {  	[hbm4b:s22+s2] =	stream.linear.scatter [tilespmem:s10], [sflag:$0x1], $0x1900, $0x38;
	[tilespmem:$0x11800] =	vst v63  }
0xe6: {  	[smem:$0x796] =	sst s0;
	s0 =	sadd.s32 $0x1F80, s26  }
0xe7: {  	[hbm4b:s0+s2] =	stream.linear.scatter [tilespmem:s12], [sflag:$0x1], $0x1900, $0x38;
	[tilespmem:$0x11800] =	vst v63  }
0xe8: {  	[smem:$0x792] =	sst s23;
	s23 =	sadd.s32 $0x13F00, s14  }
0xe9: {  	[hbm4b:s23+s2] =	stream.linear.scatter [tilespmem:s2], [sflag:$0x1], $0x1900, $0x38;
	[tilespmem:$0x11800] =	vst v63  }
0xea: {  	[smem:$0x793] =	sst s24;
	s24 =	sadd.s32 $0x380, s23  }
0xeb: {  	[hbm4b:s24+s2] =	stream.linear.scatter [tilespmem:s3], [sflag:$0x1], $0x1900, $0x38;
	[tilespmem:$0x11800] =	vst v63  }
0xec: {  	[smem:$0x794] =	sst s25;
	s25 =	sadd.s32 $0x700, s23  }
0xed: {  	[hbm4b:s25+s2] =	stream.linear.scatter [tilespmem:s4], [sflag:$0x1], $0x1900, $0x38;
	[tilespmem:$0x11800] =	vst v63  }
0xee: {  	[smem:$0x79F] =	sst s26;
	s26 =	sadd.s32 $0xA80, s23  }
0xef: {  	[hbm4b:s26+s2] =	stream.linear.scatter [tilespmem:s5], [sflag:$0x1], $0x1900, $0x38;
	[tilespmem:$0x11800] =	vst v63  }
0xf0: {  	[smem:$0x797] =	sst s15;
	s15 =	sadd.s32 $0xE00, s23  }
0xf1: {  	[hbm4b:s15+s2] =	stream.linear.scatter [tilespmem:s6], [sflag:$0x1], $0x1900, $0x38;
	[tilespmem:$0x11800] =	vst v63  }
0xf2: {  	[smem:$0x798] =	sst s16;
	s16 =	sadd.s32 $0x1180, s23  }
0xf3: {  	[hbm4b:s16+s2] =	stream.linear.scatter [tilespmem:s7], [sflag:$0x1], $0x1900, $0x38;
	[tilespmem:$0x11800] =	vst v63  }
0xf4: {  	[smem:$0x799] =	sst s17;
	s17 =	sadd.s32 $0x1500, s23  }
0xf5: {  	[hbm4b:s17+s2] =	stream.linear.scatter [tilespmem:s8], [sflag:$0x1], $0x1900, $0x38;
	[tilespmem:$0x11800] =	vst v63  }
0xf6: {  	[smem:$0x79A] =	sst s18;
	s18 =	sadd.s32 $0x1880, s23  }
0xf7: {  	[hbm4b:s18+s2] =	stream.linear.scatter [tilespmem:s9], [sflag:$0x1], $0x1900, $0x38;
	[tilespmem:$0x11800] =	vst v63  }
0xf8: {  	[smem:$0x79B] =	sst s19;
	s19 =	sadd.s32 $0x1C00, s23  }
0xf9: {  	[hbm4b:s19+s2] =	stream.linear.scatter [tilespmem:s10], [sflag:$0x1], $0x1900, $0x38;
	[tilespmem:$0x11800] =	vst v63  }
0xfa: {  	[smem:$0x7A0] =	sst s0;
	s0 =	sadd.s32 $0x1F80, s23  }
0xfb: {  	[hbm4b:s0+s2] =	stream.linear.scatter [tilespmem:s12], [sflag:$0x1], $0x1900, $0x38;
	[tilespmem:$0x11800] =	vst v63  }
0xfc: {  	[smem:$0x79C] =	sst s20;
	s20 =	sadd.s32 $0x16200, s14  }
0xfd: {  	[hbm4b:s20+s2] =	stream.linear.scatter [tilespmem:s2], [sflag:$0x1], $0x1900, $0x38;
	[tilespmem:$0x11800] =	vst v63  }
0xfe: {  	[smem:$0x79D] =	sst s21;
	s21 =	sadd.s32 $0x380, s20  }
0xff: {  	[hbm4b:s21+s2] =	stream.linear.scatter [tilespmem:s3], [sflag:$0x1], $0x1900, $0x38;
	[tilespmem:$0x11800] =	vst v63  }
0x100: {  	[smem:$0x79E] =	sst s22;
	s22 =	sadd.s32 $0x700, s20  }
0x101: {  	[hbm4b:s22+s2] =	stream.linear.scatter [tilespmem:s4], [sflag:$0x1], $0x1900, $0x38;
	[tilespmem:$0x11800] =	vst v63  }
0x102: {  	[smem:$0x7A9] =	sst s23;
	s23 =	sadd.s32 $0xA80, s20  }
0x103: {  	[hbm4b:s23+s2] =	stream.linear.scatter [tilespmem:s5], [sflag:$0x1], $0x1900, $0x38;
	[tilespmem:$0x11800] =	vst v63  }
0x104: {  	[smem:$0x7A1] =	sst s24;
	s24 =	sadd.s32 $0xE00, s20  }
0x105: {  	[hbm4b:s24+s2] =	stream.linear.scatter [tilespmem:s6], [sflag:$0x1], $0x1900, $0x38;
	[tilespmem:$0x11800] =	vst v63  }
0x106: {  	[smem:$0x7A2] =	sst s25;
	s25 =	sadd.s32 $0x1180, s20  }
0x107: {  	[hbm4b:s25+s2] =	stream.linear.scatter [tilespmem:s7], [sflag:$0x1], $0x1900, $0x38;
	[tilespmem:$0x11800] =	vst v63  }
0x108: {  	[smem:$0x7A3] =	sst s26;
	s26 =	sadd.s32 $0x1500, s20  }
0x109: {  	[hbm4b:s26+s2] =	stream.linear.scatter [tilespmem:s8], [sflag:$0x1], $0x1900, $0x38;
	[tilespmem:$0x11800] =	vst v63  }
0x10a: {  	[smem:$0x7A4] =	sst s15;
	s15 =	sadd.s32 $0x1880, s20  }
0x10b: {  	[hbm4b:s15+s2] =	stream.linear.scatter [tilespmem:s9], [sflag:$0x1], $0x1900, $0x38;
	[tilespmem:$0x11800] =	vst v63  }
0x10c: {  	[smem:$0x7A5] =	sst s16;
	s16 =	sadd.s32 $0x1C00, s20  }
0x10d: {  	[hbm4b:s16+s2] =	stream.linear.scatter [tilespmem:s10], [sflag:$0x1], $0x1900, $0x38;
	[tilespmem:$0x11800] =	vst v63  }
0x10e: {  	[smem:$0x7AA] =	sst s0;
	s0 =	sadd.s32 $0x1F80, s20  }
0x10f: {  	[hbm4b:s0+s2] =	stream.linear.scatter [tilespmem:s12], [sflag:$0x1], $0x1900, $0x38;
	[tilespmem:$0x11800] =	vst v63  }
0x110: {  	[smem:$0x7A6] =	sst s17;
	s17 =	sadd.s32 $0x18500, s14  }
0x111: {  	[hbm4b:s17+s2] =	stream.linear.scatter [tilespmem:s2], [sflag:$0x1], $0x1900, $0x38;
	[tilespmem:$0x11800] =	vst v63  }
0x112: {  	[smem:$0x7A7] =	sst s18;
	s18 =	sadd.s32 $0x380, s17  }
0x113: {  	[hbm4b:s18+s2] =	stream.linear.scatter [tilespmem:s3], [sflag:$0x1], $0x1900, $0x38;
	[tilespmem:$0x11800] =	vst v63  }
0x114: {  	[smem:$0x7A8] =	sst s19;
	s19 =	sadd.s32 $0x700, s17  }
0x115: {  	[hbm4b:s19+s2] =	stream.linear.scatter [tilespmem:s4], [sflag:$0x1], $0x1900, $0x38;
	[tilespmem:$0x11800] =	vst v63  }
0x116: {  	[smem:$0x7B3] =	sst s20;
	s20 =	sadd.s32 $0xA80, s17  }
0x117: {  	[hbm4b:s20+s2] =	stream.linear.scatter [tilespmem:s5], [sflag:$0x1], $0x1900, $0x38;
	[tilespmem:$0x11800] =	vst v63  }
0x118: {  	[smem:$0x7AB] =	sst s21;
	s21 =	sadd.s32 $0xE00, s17  }
0x119: {  	[hbm4b:s21+s2] =	stream.linear.scatter [tilespmem:s6], [sflag:$0x1], $0x1900, $0x38;
	[tilespmem:$0x11800] =	vst v63  }
0x11a: {  	[smem:$0x7AC] =	sst s22;
	s22 =	sadd.s32 $0x1180, s17  }
0x11b: {  	[hbm4b:s22+s2] =	stream.linear.scatter [tilespmem:s7], [sflag:$0x1], $0x1900, $0x38;
	[tilespmem:$0x11800] =	vst v63  }
0x11c: {  	[smem:$0x7AD] =	sst s23;
	s23 =	sadd.s32 $0x1500, s17  }
0x11d: {  	[hbm4b:s23+s2] =	stream.linear.scatter [tilespmem:s8], [sflag:$0x1], $0x1900, $0x38;
	[tilespmem:$0x11800] =	vst v63  }
0x11e: {  	[smem:$0x7AE] =	sst s24;
	s24 =	sadd.s32 $0x1880, s17  }
0x11f: {  	[hbm4b:s24+s2] =	stream.linear.scatter [tilespmem:s9], [sflag:$0x1], $0x1900, $0x38;
	[tilespmem:$0x11800] =	vst v63  }
0x120: {  	[smem:$0x7AF] =	sst s25;
	s25 =	sadd.s32 $0x1C00, s17  }
0x121: {  	[hbm4b:s25+s2] =	stream.linear.scatter [tilespmem:s10], [sflag:$0x1], $0x1900, $0x38;
	[tilespmem:$0x11800] =	vst v63  }
0x122: {  	[smem:$0x7B4] =	sst s0;
	s0 =	sadd.s32 $0x1F80, s17  }
0x123: {  	[hbm4b:s0+s2] =	stream.linear.scatter [tilespmem:s12], [sflag:$0x1], $0x1900, $0x38;
	[tilespmem:$0x11800] =	vst v63  }
0x124: {  	[smem:$0x7B0] =	sst s26;
	s26 =	sadd.s32 $0x1A800, s14  }
0x125: {  	[hbm4b:s26+s2] =	stream.linear.scatter [tilespmem:s2], [sflag:$0x1], $0x1900, $0x38;
	[tilespmem:$0x11800] =	vst v63  }
0x126: {  	[smem:$0x7B1] =	sst s15;
	s15 =	sadd.s32 $0x380, s26  }
0x127: {  	[hbm4b:s15+s2] =	stream.linear.scatter [tilespmem:s3], [sflag:$0x1], $0x1900, $0x38;
	[tilespmem:$0x11800] =	vst v63  }
0x128: {  	[smem:$0x7B2] =	sst s16;
	s16 =	sadd.s32 $0x700, s26  }
0x129: {  	[hbm4b:s16+s2] =	stream.linear.scatter [tilespmem:s4], [sflag:$0x1], $0x1900, $0x38;
	[tilespmem:$0x11800] =	vst v63  }
0x12a: {  	[smem:$0x7BD] =	sst s17;
	s17 =	sadd.s32 $0xA80, s26  }
0x12b: {  	[hbm4b:s17+s2] =	stream.linear.scatter [tilespmem:s5], [sflag:$0x1], $0x1900, $0x38;
	[tilespmem:$0x11800] =	vst v63  }
0x12c: {  	[smem:$0x7B5] =	sst s18;
	s18 =	sadd.s32 $0xE00, s26  }
0x12d: {  	[hbm4b:s18+s2] =	stream.linear.scatter [tilespmem:s6], [sflag:$0x1], $0x1900, $0x38;
	[tilespmem:$0x11800] =	vst v63  }
0x12e: {  	[smem:$0x7B6] =	sst s19;
	s19 =	sadd.s32 $0x1180, s26  }
0x12f: {  	[hbm4b:s19+s2] =	stream.linear.scatter [tilespmem:s7], [sflag:$0x1], $0x1900, $0x38;
	[tilespmem:$0x11800] =	vst v63  }
0x130: {  	[smem:$0x7B7] =	sst s20;
	s20 =	sadd.s32 $0x1500, s26  }
0x131: {  	[hbm4b:s20+s2] =	stream.linear.scatter [tilespmem:s8], [sflag:$0x1], $0x1900, $0x38;
	[tilespmem:$0x11800] =	vst v63  }
0x132: {  	[smem:$0x7B8] =	sst s21;
	s21 =	sadd.s32 $0x1880, s26  }
0x133: {  	[hbm4b:s21+s2] =	stream.linear.scatter [tilespmem:s9], [sflag:$0x1], $0x1900, $0x38;
	[tilespmem:$0x11800] =	vst v63  }
0x134: {  	[smem:$0x7B9] =	sst s22;
	s22 =	sadd.s32 $0x1C00, s26  }
0x135: {  	[hbm4b:s22+s2] =	stream.linear.scatter [tilespmem:s10], [sflag:$0x1], $0x1900, $0x38;
	[tilespmem:$0x11800] =	vst v63  }
0x136: {  	[smem:$0x7BE] =	sst s0;
	s0 =	sadd.s32 $0x1F80, s26  }
0x137: {  	[hbm4b:s0+s2] =	stream.linear.scatter [tilespmem:s12], [sflag:$0x1], $0x1900, $0x38;
	[tilespmem:$0x11800] =	vst v63  }
0x138: {  	[smem:$0x7BA] =	sst s23;
	s23 =	sadd.s32 $0x1CB00, s14  }
0x139: {  	[hbm4b:s23+s2] =	stream.linear.scatter [tilespmem:s2], [sflag:$0x1], $0x1900, $0x38;
	[tilespmem:$0x11800] =	vst v63  }
0x13a: {  	[smem:$0x7BB] =	sst s24;
	s24 =	sadd.s32 $0x380, s23  }
0x13b: {  	[hbm4b:s24+s2] =	stream.linear.scatter [tilespmem:s3], [sflag:$0x1], $0x1900, $0x38;
	[tilespmem:$0x11800] =	vst v63  }
0x13c: {  	[smem:$0x7BC] =	sst s25;
	s25 =	sadd.s32 $0x700, s23  }
0x13d: {  	[hbm4b:s25+s2] =	stream.linear.scatter [tilespmem:s4], [sflag:$0x1], $0x1900, $0x38;
	[tilespmem:$0x11800] =	vst v63  }
0x13e: {  	[smem:$0x7C7] =	sst s26;
	s26 =	sadd.s32 $0xA80, s23  }
0x13f: {  	[hbm4b:s26+s2] =	stream.linear.scatter [tilespmem:s5], [sflag:$0x1], $0x1900, $0x38;
	[tilespmem:$0x11800] =	vst v63  }
0x140: {  	[smem:$0x7BF] =	sst s15;
	s15 =	sadd.s32 $0xE00, s23  }
0x141: {  	[hbm4b:s15+s2] =	stream.linear.scatter [tilespmem:s6], [sflag:$0x1], $0x1900, $0x38;
	[tilespmem:$0x11800] =	vst v63  }
0x142: {  	[smem:$0x7C0] =	sst s16;
	s16 =	sadd.s32 $0x1180, s23  }
0x143: {  	[hbm4b:s16+s2] =	stream.linear.scatter [tilespmem:s7], [sflag:$0x1], $0x1900, $0x38;
	[tilespmem:$0x11800] =	vst v63  }
0x144: {  	[smem:$0x7C1] =	sst s17;
	s17 =	sadd.s32 $0x1500, s23  }
0x145: {  	[hbm4b:s17+s2] =	stream.linear.scatter [tilespmem:s8], [sflag:$0x1], $0x1900, $0x38;
	[tilespmem:$0x11800] =	vst v63  }
0x146: {  	[smem:$0x7C2] =	sst s18;
	s18 =	sadd.s32 $0x1880, s23  }
0x147: {  	[hbm4b:s18+s2] =	stream.linear.scatter [tilespmem:s9], [sflag:$0x1], $0x1900, $0x38;
	[tilespmem:$0x11800] =	vst v63  }
0x148: {  	[smem:$0x7C3] =	sst s19;
	s19 =	sadd.s32 $0x1C00, s23  }
0x149: {  	[hbm4b:s19+s2] =	stream.linear.scatter [tilespmem:s10], [sflag:$0x1], $0x1900, $0x38;
	[tilespmem:$0x11800] =	vst v63  }
0x14a: {  	[smem:$0x7C8] =	sst s0;
	s0 =	sadd.s32 $0x1F80, s23  }
0x14b: {  	[hbm4b:s0+s2] =	stream.linear.scatter [tilespmem:s12], [sflag:$0x1], $0x1900, $0x38;
	[tilespmem:$0x11800] =	vst v63  }
0x14c: {  	[smem:$0x7C4] =	sst s20;
	s20 =	sadd.s32 $0x1EE00, s14  }
0x14d: {  	[hbm4b:s20+s2] =	stream.linear.scatter [tilespmem:s2], [sflag:$0x1], $0x1900, $0x38;
	[tilespmem:$0x11800] =	vst v63  }
0x14e: {  	[smem:$0x7C5] =	sst s21;
	s21 =	sadd.s32 $0x380, s20  }
0x14f: {  	[hbm4b:s21+s2] =	stream.linear.scatter [tilespmem:s3], [sflag:$0x1], $0x1900, $0x38;
	[tilespmem:$0x11800] =	vst v63  }
0x150: {  	[smem:$0x7C6] =	sst s22;
	s22 =	sadd.s32 $0x700, s20  }
0x151: {  	[hbm4b:s22+s2] =	stream.linear.scatter [tilespmem:s4], [sflag:$0x1], $0x1900, $0x38;
	[tilespmem:$0x11800] =	vst v63  }
0x152: {  	[smem:$0x7D1] =	sst s23;
	s23 =	sadd.s32 $0xA80, s20  }
0x153: {  	[hbm4b:s23+s2] =	stream.linear.scatter [tilespmem:s5], [sflag:$0x1], $0x1900, $0x38;
	[tilespmem:$0x11800] =	vst v63  }
0x154: {  	[smem:$0x7C9] =	sst s24;
	s24 =	sadd.s32 $0xE00, s20  }
0x155: {  	[hbm4b:s24+s2] =	stream.linear.scatter [tilespmem:s6], [sflag:$0x1], $0x1900, $0x38;
	[tilespmem:$0x11800] =	vst v63  }
0x156: {  	[smem:$0x7CA] =	sst s25;
	s25 =	sadd.s32 $0x1180, s20  }
0x157: {  	[hbm4b:s25+s2] =	stream.linear.scatter [tilespmem:s7], [sflag:$0x1], $0x1900, $0x38;
	[tilespmem:$0x11800] =	vst v63  }
0x158: {  	[smem:$0x7CB] =	sst s26;
	s26 =	sadd.s32 $0x1500, s20  }
0x159: {  	[hbm4b:s26+s2] =	stream.linear.scatter [tilespmem:s8], [sflag:$0x1], $0x1900, $0x38;
	[tilespmem:$0x11800] =	vst v63  }
0x15a: {  	[smem:$0x7CC] =	sst s15;
	s15 =	sadd.s32 $0x1880, s20  }
0x15b: {  	[hbm4b:s15+s2] =	stream.linear.scatter [tilespmem:s9], [sflag:$0x1], $0x1900, $0x38;
	[tilespmem:$0x11800] =	vst v63  }
0x15c: {  	[smem:$0x7CD] =	sst s16;
	s16 =	sadd.s32 $0x1C00, s20  }
0x15d: {  	[hbm4b:s16+s2] =	stream.linear.scatter [tilespmem:s10], [sflag:$0x1], $0x1900, $0x38;
	[tilespmem:$0x11800] =	vst v63  }
0x15e: {  	[smem:$0x7D2] =	sst s0;
	s0 =	sadd.s32 $0x1F80, s20  }
0x15f: {  	[hbm4b:s0+s2] =	stream.linear.scatter [tilespmem:s12], [sflag:$0x1], $0x1900, $0x38;
	[tilespmem:$0x11800] =	vst v63  }
0x160: {  	[smem:$0x7CE] =	sst s17;
	s17 =	sadd.s32 $0x21100, s14  }
0x161: {  	[hbm4b:s17+s2] =	stream.linear.scatter [tilespmem:s2], [sflag:$0x1], $0x1900, $0x38;
	[tilespmem:$0x11800] =	vst v63  }
0x162: {  	[smem:$0x7CF] =	sst s18;
	s18 =	sadd.s32 $0x380, s17  }
0x163: {  	[hbm4b:s18+s2] =	stream.linear.scatter [tilespmem:s3], [sflag:$0x1], $0x1900, $0x38;
	[tilespmem:$0x11800] =	vst v63  }
0x164: {  	[smem:$0x7D0] =	sst s19;
	s19 =	sadd.s32 $0x700, s17  }
0x165: {  	[hbm4b:s19+s2] =	stream.linear.scatter [tilespmem:s4], [sflag:$0x1], $0x1900, $0x38;
	[tilespmem:$0x11800] =	vst v63  }
0x166: {  	[smem:$0x7DB] =	sst s20;
	s20 =	sadd.s32 $0xA80, s17  }
0x167: {  	[hbm4b:s20+s2] =	stream.linear.scatter [tilespmem:s5], [sflag:$0x1], $0x1900, $0x38;
	[tilespmem:$0x11800] =	vst v63  }
0x168: {  	[smem:$0x7D3] =	sst s21;
	s21 =	sadd.s32 $0xE00, s17  }
0x169: {  	[hbm4b:s21+s2] =	stream.linear.scatter [tilespmem:s6], [sflag:$0x1], $0x1900, $0x38;
	[tilespmem:$0x11800] =	vst v63  }
0x16a: {  	[smem:$0x7D4] =	sst s22;
	s22 =	sadd.s32 $0x1180, s17  }
0x16b: {  	[hbm4b:s22+s2] =	stream.linear.scatter [tilespmem:s7], [sflag:$0x1], $0x1900, $0x38;
	[tilespmem:$0x11800] =	vst v63  }
0x16c: {  	[smem:$0x7D5] =	sst s23;
	s23 =	sadd.s32 $0x1500, s17  }
0x16d: {  	[hbm4b:s23+s2] =	stream.linear.scatter [tilespmem:s8], [sflag:$0x1], $0x1900, $0x38;
	[tilespmem:$0x11800] =	vst v63  }
0x16e: {  	[smem:$0x7D6] =	sst s24;
	s24 =	sadd.s32 $0x1880, s17  }
0x16f: {  	[hbm4b:s24+s2] =	stream.linear.scatter [tilespmem:s9], [sflag:$0x1], $0x1900, $0x38;
	[tilespmem:$0x11800] =	vst v63  }
0x170: {  	[smem:$0x7D7] =	sst s25;
	s25 =	sadd.s32 $0x1C00, s17  }
0x171: {  	[hbm4b:s25+s2] =	stream.linear.scatter [tilespmem:s10], [sflag:$0x1], $0x1900, $0x38;
	[tilespmem:$0x11800] =	vst v63  }
0x172: {  	[smem:$0x7DC] =	sst s0;
	s0 =	sadd.s32 $0x1F80, s17  }
0x173: {  	[hbm4b:s0+s2] =	stream.linear.scatter [tilespmem:s12], [sflag:$0x1], $0x1900, $0x38;
	[tilespmem:$0x11800] =	vst v63  }
0x174: {  	[smem:$0x7D8] =	sst s26;
	s26 =	sadd.s32 $0x23400, s14  }
0x175: {  	[hbm4b:s26+s2] =	stream.linear.scatter [tilespmem:s2], [sflag:$0x1], $0x1900, $0x38;
	[tilespmem:$0x11800] =	vst v63  }
0x176: {  	[smem:$0x7D9] =	sst s15;
	s15 =	sadd.s32 $0x380, s26  }
0x177: {  	[hbm4b:s15+s2] =	stream.linear.scatter [tilespmem:s3], [sflag:$0x1], $0x1900, $0x38;
	[tilespmem:$0x11800] =	vst v63  }
0x178: {  	[smem:$0x7DA] =	sst s16;
	s16 =	sadd.s32 $0x700, s26  }
0x179: {  	[hbm4b:s16+s2] =	stream.linear.scatter [tilespmem:s4], [sflag:$0x1], $0x1900, $0x38;
	[tilespmem:$0x11800] =	vst v63  }
0x17a: {  	[smem:$0x7E5] =	sst s17;
	s17 =	sadd.s32 $0xA80, s26  }
0x17b: {  	[hbm4b:s17+s2] =	stream.linear.scatter [tilespmem:s5], [sflag:$0x1], $0x1900, $0x38;
	[tilespmem:$0x11800] =	vst v63  }
0x17c: {  	[smem:$0x7DD] =	sst s18;
	s18 =	sadd.s32 $0xE00, s26  }
0x17d: {  	[hbm4b:s18+s2] =	stream.linear.scatter [tilespmem:s6], [sflag:$0x1], $0x1900, $0x38;
	[tilespmem:$0x11800] =	vst v63  }
0x17e: {  	[smem:$0x7DE] =	sst s19;
	s19 =	sadd.s32 $0x1180, s26  }
0x17f: {  	[hbm4b:s19+s2] =	stream.linear.scatter [tilespmem:s7], [sflag:$0x1], $0x1900, $0x38;
	[tilespmem:$0x11800] =	vst v63  }
0x180: {  	[smem:$0x7DF] =	sst s20;
	s20 =	sadd.s32 $0x1500, s26  }
0x181: {  	[hbm4b:s20+s2] =	stream.linear.scatter [tilespmem:s8], [sflag:$0x1], $0x1900, $0x38;
	[tilespmem:$0x11800] =	vst v63  }
0x182: {  	[smem:$0x7E0] =	sst s21;
	s21 =	sadd.s32 $0x1880, s26  }
0x183: {  	[hbm4b:s21+s2] =	stream.linear.scatter [tilespmem:s9], [sflag:$0x1], $0x1900, $0x38;
	[tilespmem:$0x11800] =	vst v63  }
0x184: {  	[smem:$0x7E1] =	sst s22;
	s22 =	sadd.s32 $0x1C00, s26  }
0x185: {  	[hbm4b:s22+s2] =	stream.linear.scatter [tilespmem:s10], [sflag:$0x1], $0x1900, $0x38;
	[tilespmem:$0x11800] =	vst v63  }
0x186: {  	[smem:$0x7E6] =	sst s0;
	s0 =	sadd.s32 $0x1F80, s26  }
0x187: {  	[hbm4b:s0+s2] =	stream.linear.scatter [tilespmem:s12], [sflag:$0x1], $0x1900, $0x38;
	[tilespmem:$0x11800] =	vst v63  }
0x188: {  	[smem:$0x7E2] =	sst s23;
	s23 =	sadd.s32 $0x25700, s14  }
0x189: {  	[hbm4b:s23+s2] =	stream.linear.scatter [tilespmem:s2], [sflag:$0x1], $0x1900, $0x38;
	[tilespmem:$0x11800] =	vst v63  }
0x18a: {  	[smem:$0x7E3] =	sst s24;
	s24 =	sadd.s32 $0x380, s23  }
0x18b: {  	[hbm4b:s24+s2] =	stream.linear.scatter [tilespmem:s3], [sflag:$0x1], $0x1900, $0x38;
	[tilespmem:$0x11800] =	vst v63  }
0x18c: {  	[smem:$0x7E4] =	sst s25;
	s25 =	sadd.s32 $0x700, s23  }
0x18d: {  	[hbm4b:s25+s2] =	stream.linear.scatter [tilespmem:s4], [sflag:$0x1], $0x1900, $0x38;
	[tilespmem:$0x11800] =	vst v63  }
0x18e: {  	[smem:$0x7EF] =	sst s26;
	s26 =	sadd.s32 $0xA80, s23  }
0x18f: {  	[hbm4b:s26+s2] =	stream.linear.scatter [tilespmem:s5], [sflag:$0x1], $0x1900, $0x38;
	[tilespmem:$0x11800] =	vst v63  }
0x190: {  	[smem:$0x7E7] =	sst s15;
	s15 =	sadd.s32 $0xE00, s23  }
0x191: {  	[hbm4b:s15+s2] =	stream.linear.scatter [tilespmem:s6], [sflag:$0x1], $0x1900, $0x38;
	[tilespmem:$0x11800] =	vst v63  }
0x192: {  	[smem:$0x7E8] =	sst s16;
	s16 =	sadd.s32 $0x1180, s23  }
0x193: {  	[hbm4b:s16+s2] =	stream.linear.scatter [tilespmem:s7], [sflag:$0x1], $0x1900, $0x38;
	[tilespmem:$0x11800] =	vst v63  }
0x194: {  	[smem:$0x7E9] =	sst s17;
	s17 =	sadd.s32 $0x1500, s23  }
0x195: {  	[hbm4b:s17+s2] =	stream.linear.scatter [tilespmem:s8], [sflag:$0x1], $0x1900, $0x38;
	[tilespmem:$0x11800] =	vst v63  }
0x196: {  	[smem:$0x7EA] =	sst s18;
	s18 =	sadd.s32 $0x1880, s23  }
0x197: {  	[hbm4b:s18+s2] =	stream.linear.scatter [tilespmem:s9], [sflag:$0x1], $0x1900, $0x38;
	[tilespmem:$0x11800] =	vst v63  }
0x198: {  	[smem:$0x7EB] =	sst s19;
	s19 =	sadd.s32 $0x1C00, s23  }
0x199: {  	[hbm4b:s19+s2] =	stream.linear.scatter [tilespmem:s10], [sflag:$0x1], $0x1900, $0x38;
	[tilespmem:$0x11800] =	vst v63  }
0x19a: {  	[smem:$0x7F0] =	sst s0;
	s0 =	sadd.s32 $0x1F80, s23  }
0x19b: {  	[hbm4b:s0+s2] =	stream.linear.scatter [tilespmem:s12], [sflag:$0x1], $0x1900, $0x38;
	[tilespmem:$0x11800] =	vst v63  }
0x19c: {  	[smem:$0x7F5] =	sst s16;
	s16 =	sadd.s32 $0x27A00, s14  }
0x19d: {  	[hbm4b:s16+s2] =	stream.linear.scatter [tilespmem:s2], [sflag:$0x1], $0x1900, $0x38;
	[tilespmem:$0x11800] =	vst v63  }
0x19e: {  	[smem:$0x7EC] =	sst s20;
	s20 =	sadd.s32 $0x380, s16  }
0x19f: {  	[hbm4b:s20+s2] =	stream.linear.scatter [tilespmem:s3], [sflag:$0x1], $0x1900, $0x38;
	[tilespmem:$0x11800] =	vst v63  }
0x1a0: {  	[smem:$0x7ED] =	sst s21;
	s21 =	sadd.s32 $0x700, s16  }
0x1a1: {  	[hbm4b:s21+s2] =	stream.linear.scatter [tilespmem:s4], [sflag:$0x1], $0x1900, $0x38;
	[tilespmem:$0x11800] =	vst v63  }
0x1a2: {  	[smem:$0x7EE] =	sst s22;
	s22 =	sadd.s32 $0xA80, s16  }
0x1a3: {  	[hbm4b:s22+s2] =	stream.linear.scatter [tilespmem:s5], [sflag:$0x1], $0x1900, $0x38;
	[tilespmem:$0x11800] =	vst v63  }
0x1a4: {  	[smem:$0x7F9] =	sst s23;
	s23 =	sadd.s32 $0xE00, s16  }
0x1a5: {  	[hbm4b:s23+s2] =	stream.linear.scatter [tilespmem:s6], [sflag:$0x1], $0x1900, $0x38;
	[tilespmem:$0x11800] =	vst v63  }
0x1a6: {  	[smem:$0x7F1] =	sst s24;
	s24 =	sadd.s32 $0x1180, s16  }
0x1a7: {  	[hbm4b:s24+s2] =	stream.linear.scatter [tilespmem:s7], [sflag:$0x1], $0x1900, $0x38;
	[tilespmem:$0x11800] =	vst v63  }
0x1a8: {  	[smem:$0x7F2] =	sst s25;
	s25 =	sadd.s32 $0x1500, s16  }
0x1a9: {  	[hbm4b:s25+s2] =	stream.linear.scatter [tilespmem:s8], [sflag:$0x1], $0x1900, $0x38;
	[tilespmem:$0x11800] =	vst v63  }
0x1aa: {  	[smem:$0x7F3] =	sst s26;
	s26 =	sadd.s32 $0x1880, s16  }
0x1ab: {  	[hbm4b:s26+s2] =	stream.linear.scatter [tilespmem:s9], [sflag:$0x1], $0x1900, $0x38;
	[tilespmem:$0x11800] =	vst v63  }
0x1ac: {  	s29 =	sadd.s32 $0x1C00, s16  }
0x1ad: {  	[hbm4b:s29+s2] =	stream.linear.scatter [tilespmem:s10], [sflag:$0x1], $0x1900, $0x38;
	[tilespmem:$0x11800] =	vst v63  }
0x1ae: {  	s28 =	smov.u32 s24;
	s24 =	sadd.s32 $0x1F80, s16  }
0x1af: {  	[hbm4b:s24+s2] =	stream.linear.scatter [tilespmem:s12], [sflag:$0x1], $0x1900, $0x38;
	[tilespmem:$0x11800] =	vst v63  }
0x1b0: {  	[smem:$0x7F8] =	sst s19;
	s19 =	sadd.s32 $0x29D00, s14  }
0x1b1: {  	[hbm4b:s19+s2] =	stream.linear.scatter [tilespmem:s2], [sflag:$0x1], $0x1900, $0x38;
	[tilespmem:$0x11800] =	vst v63  }
0x1b2: {  	s31 =	smov.u32 s26;
	s26 =	sadd.s32 $0x380, s19  }
0x1b3: {  	[hbm4b:s26+s2] =	stream.linear.scatter [tilespmem:s3], [sflag:$0x1], $0x1900, $0x38;
	[tilespmem:$0x11800] =	vst v63  }
0x1b4: {  	[smem:$0x7FB] =	sst s20;
	s20 =	sadd.s32 $0x700, s19  }
0x1b5: {  	[hbm4b:s20+s2] =	stream.linear.scatter [tilespmem:s4], [sflag:$0x1], $0x1900, $0x38;
	[tilespmem:$0x11800] =	vst v63  }
0x1b6: {  	[smem:$0x7F6] =	sst s17;
	s17 =	sadd.s32 $0xA80, s19  }
0x1b7: {  	[hbm4b:s17+s2] =	stream.linear.scatter [tilespmem:s5], [sflag:$0x1], $0x1900, $0x38;
	[tilespmem:$0x11800] =	vst v63  }
0x1b8: {  	[smem:$0x7FC] =	sst s21;
	s21 =	sadd.s32 $0xE00, s19  }
0x1b9: {  	[hbm4b:s21+s2] =	stream.linear.scatter [tilespmem:s6], [sflag:$0x1], $0x1900, $0x38;
	[tilespmem:$0x11800] =	vst v63  }
0x1ba: {  	[smem:$0x7FD] =	sst s22;
	s22 =	sadd.s32 $0x1180, s19  }
0x1bb: {  	[hbm4b:s22+s2] =	stream.linear.scatter [tilespmem:s7], [sflag:$0x1], $0x1900, $0x38;
	[tilespmem:$0x11800] =	vst v63  }
0x1bc: {  	s13 =	smov.u32 s23;
	s23 =	sadd.s32 $0x1500, s19  }
0x1bd: {  	[hbm4b:s23+s2] =	stream.linear.scatter [tilespmem:s8], [sflag:$0x1], $0x1900, $0x38;
	[tilespmem:$0x11800] =	vst v63  }
0x1be: {  	[smem:$0x7F7] =	sst s18;
	s18 =	sadd.s32 $0x1880, s19  }
0x1bf: {  	[hbm4b:s18+s2] =	stream.linear.scatter [tilespmem:s9], [sflag:$0x1], $0x1900, $0x38;
	[tilespmem:$0x11800] =	vst v63  }
0x1c0: {  	[smem:$0x7F4] =	sst s15;
	s14 =	sadd.s32 $0x1C00, s19  }
0x1c1: {  	[hbm4b:s14+s2] =	stream.linear.scatter [tilespmem:s10], [sflag:$0x1], $0x1900, $0x38;
	[tilespmem:$0x11800] =	vst v63  }
0x1c2: {  	[smem:$0x7FA] =	sst s0;
	s0 =	smov.u32 s16;
	s16 =	sadd.s32 $0x1F80, s19  }
0x1c3: {  	[hbm4b:s16+s2] =	stream.linear.scatter [tilespmem:s12], [sflag:$0x1], $0x1900, $0x38;
	[tilespmem:$0x11800] =	vst v63  }
0x1c4: {  	_ =	swait.ge [sflag:s11], $0xFA00  }
0x1c5: {  	[sflag:s11] =	ssyncset.done $0x0  }
0x1c6: {  	[sflag:s11] =	ssyncadd.s32 $0xFFFF0600  }
0x1c7: {  	_ =	swait.ge [sflag:s11], $0xFA00  }
0x1c8: {  	[sflag:s11] =	ssyncset.done $0x0  }
0x1c9: {  	[sflag:s11] =	ssyncadd.s32 $0xFFFF0600  }
0x1ca: {  	_ =	swait.ge [sflag:s11], $0xFA00  }
0x1cb: {  	[sflag:s11] =	ssyncset.done $0x0  }
0x1cc: {  	[sflag:s11] =	ssyncadd.s32 $0xFFFF0600  }
0x1cd: {  	_ =	swait.ge [sflag:s11], $0xFA00  }
0x1ce: {  	[sflag:s11] =	ssyncset.done $0x0  }
0x1cf: {  	[sflag:s11] =	ssyncadd.s32 $0xFFFF0600  }
0x1d0: {  	_ =	swait.ge [sflag:s11], $0xFA00  }
0x1d1: {  	[sflag:s11] =	ssyncset.done $0x0  }
0x1d2: {  	[sflag:s11] =	ssyncadd.s32 $0xFFFF0600  }
0x1d3: {  	_ =	swait.ge [sflag:s11], $0xFA00  }
0x1d4: {  	[sflag:s11] =	ssyncset.done $0x0  }
0x1d5: {  	[sflag:s11] =	ssyncadd.s32 $0xFFFF0600  }
0x1d6: {  	_ =	swait.ge [sflag:s11], $0xFA00  }
0x1d7: {  	[sflag:s11] =	ssyncset.done $0x0  }
0x1d8: {  	[sflag:s11] =	ssyncadd.s32 $0xFFFF0600  }
0x1d9: {  	_ =	swait.ge [sflag:s11], $0xFA00  }
0x1da: {  	[sflag:s11] =	ssyncset.done $0x0  }
0x1db: {  	[sflag:s11] =	ssyncadd.s32 $0xFFFF0600  }
0x1dc: {  	_ =	swait.ge [sflag:s11], $0xFA00  }
0x1dd: {  	[sflag:s11] =	ssyncset.done $0x0  }
0x1de: {  	[sflag:s11] =	ssyncadd.s32 $0xFFFF0600  }
0x1df: {  	_ =	swait.ge [sflag:s11], $0xFA00  }
0x1e0: {  	[sflag:s11] =	ssyncset.done $0x0  }
0x1e1: {  	[sflag:s11] =	ssyncadd.s32 $0xFFFF0600  }
0x1e2: {  	_ =	swait.ge [sflag:s11], $0xFA00  }
0x1e3: {  	[sflag:s11] =	ssyncset.done $0x0  }
0x1e4: {  	[sflag:s11] =	ssyncadd.s32 $0xFFFF0600  }
0x1e5: {  	_ =	swait.ge [sflag:s11], $0xFA00  }
0x1e6: {  	[sflag:s11] =	ssyncset.done $0x0  }
0x1e7: {  	[sflag:s11] =	ssyncadd.s32 $0xFFFF0600  }
0x1e8: {  	_ =	swait.ge [sflag:s11], $0xFA00  }
0x1e9: {  	[sflag:s11] =	ssyncset.done $0x0  }
0x1ea: {  	[sflag:s11] =	ssyncadd.s32 $0xFFFF0600  }
0x1eb: {  	_ =	swait.ge [sflag:s11], $0xFA00  }
0x1ec: {  	[sflag:s11] =	ssyncset.done $0x0  }
0x1ed: {  	[sflag:s11] =	ssyncadd.s32 $0xFFFF0600  }
0x1ee: {  	_ =	swait.ge [sflag:s11], $0xFA00  }
0x1ef: {  	[sflag:s11] =	ssyncset.done $0x0  }
0x1f0: {  	[sflag:s11] =	ssyncadd.s32 $0xFFFF0600  }
0x1f1: {  	_ =	swait.ge [sflag:s11], $0xFA00  }
0x1f2: {  	[sflag:s11] =	ssyncset.done $0x0  }
0x1f3: {  	[sflag:s11] =	ssyncadd.s32 $0xFFFF0600  }
0x1f4: {  	_ =	swait.ge [sflag:s11], $0xFA00  }
0x1f5: {  	s15 =	smov.u32 s25;
	s25 =	ssub.s32 $0x2, s30;
	[sflag:s11] =	ssyncset.done $0x0  }
0x1f6: {  	s30 =	sshrl.u32 s25, $0x1;
	[sflag:s11] =	ssyncadd.s32 $0xFFFF0600  }
0x1f7: {  	s30 =	ssub.s32 s25, s30;
	_ =	swait.ge [sflag:s11], $0xFA00  }
0x1f8: {  	s30 =	smax.u32 s30, $0x1;
	[sflag:s11] =	ssyncset.done $0x0  }
0x1f9: {  	p0 =	sne.s32 s30, $0x1;
	[sflag:s11] =	ssyncadd.s32 $0xFFFF0600  }
.Ltmp0:
0x1fa: {  	_ =	swait.ge [sflag:s11], $0xFA00;
	(pc) =	sbr.rel @!p0 .LBB2_2-.Ltmp0, $4  }
0x1fb: {  	[sflag:s11] =	ssyncset.done $0x0  }
0x1fc: {  	[sflag:s11] =	ssyncadd.s32 $0xFFFF0600  }
0x1fd: {  	_ =	swait.ge [sflag:s11], $0xFA00  }
0x1fe: {  	s30 =	sadd.s32 $0xFFFFFFFF, s30;
	[sflag:s11] =	ssyncset.done $0x0  }
.LBB2_1:
0x1ff: {  	[sflag:s11] =	ssyncadd.s32 $0xFFFF0600  }
0x200: {  	[tilespmem:s2], [sflag:$0x1] =	stream.linear.gather [hbm4b:s1+s2], $0x1900, $0x38;
	[tilespmem:$0x11800] =	vst v63  }
0x201: {  	_ = 	snop  }
0x202: {  	[tilespmem:s3], [sflag:$0x1] =	stream.linear.gather [hbm4b:s1+s2], $0x1900, $0x38;
	[tilespmem:$0x11800] =	vst v63  }
0x203: {  	_ = 	snop  }
0x204: {  	[tilespmem:s4], [sflag:$0x1] =	stream.linear.gather [hbm4b:s1+s2], $0x1900, $0x38;
	[tilespmem:$0x11800] =	vst v63  }
0x205: {  	_ = 	snop  }
0x206: {  	[tilespmem:s5], [sflag:$0x1] =	stream.linear.gather [hbm4b:s1+s2], $0x1900, $0x38;
	[tilespmem:$0x11800] =	vst v63  }
0x207: {  	_ = 	snop  }
0x208: {  	[tilespmem:s6], [sflag:$0x1] =	stream.linear.gather [hbm4b:s1+s2], $0x1900, $0x38;
	[tilespmem:$0x11800] =	vst v63  }
0x209: {  	_ = 	snop  }
0x20a: {  	[tilespmem:s7], [sflag:$0x1] =	stream.linear.gather [hbm4b:s1+s2], $0x1900, $0x38;
	[tilespmem:$0x11800] =	vst v63  }
0x20b: {  	_ = 	snop  }
0x20c: {  	[tilespmem:s8], [sflag:$0x1] =	stream.linear.gather [hbm4b:s1+s2], $0x1900, $0x38;
	[tilespmem:$0x11800] =	vst v63  }
0x20d: {  	_ = 	snop  }
0x20e: {  	[tilespmem:s9], [sflag:$0x1] =	stream.linear.gather [hbm4b:s1+s2], $0x1900, $0x38;
	[tilespmem:$0x11800] =	vst v63  }
0x20f: {  	_ = 	snop  }
0x210: {  	[tilespmem:s10], [sflag:$0x1] =	stream.linear.gather [hbm4b:s1+s2], $0x1900, $0x38;
	[tilespmem:$0x11800] =	vst v63  }
0x211: {  	_ = 	snop  }
0x212: {  	[tilespmem:s12], [sflag:$0x1] =	stream.linear.gather [hbm4b:s1+s2], $0x1900, $0x38;
	[tilespmem:$0x11800] =	vst v63  }
0x213: {  	_ =	swait.ge [sflag:s11], $0x1900  }
0x214: {  	[sflag:s11] =	ssyncset.done $0x0  }
0x215: {  	[sflag:s11] =	ssyncadd.s32 $0xFFFFE700  }
0x216: {  	_ =	swait.ge [sflag:s11], $0x1900  }
0x217: {  	[sflag:s11] =	ssyncset.done $0x0  }
0x218: {  	[sflag:s11] =	ssyncadd.s32 $0xFFFFE700  }
0x219: {  	_ =	swait.ge [sflag:s11], $0x1900  }
0x21a: {  	[sflag:s11] =	ssyncset.done $0x0  }
0x21b: {  	[sflag:s11] =	ssyncadd.s32 $0xFFFFE700  }
0x21c: {  	_ =	swait.ge [sflag:s11], $0x1900  }
0x21d: {  	[sflag:s11] =	ssyncset.done $0x0  }
0x21e: {  	[sflag:s11] =	ssyncadd.s32 $0xFFFFE700  }
0x21f: {  	_ =	swait.ge [sflag:s11], $0x1900  }
0x220: {  	[sflag:s11] =	ssyncset.done $0x0  }
0x221: {  	[sflag:s11] =	ssyncadd.s32 $0xFFFFE700  }
0x222: {  	_ =	swait.ge [sflag:s11], $0x1900  }
0x223: {  	[sflag:s11] =	ssyncset.done $0x0  }
0x224: {  	[sflag:s11] =	ssyncadd.s32 $0xFFFFE700  }
0x225: {  	_ =	swait.ge [sflag:s11], $0x1900  }
0x226: {  	[sflag:s11] =	ssyncset.done $0x0  }
0x227: {  	[sflag:s11] =	ssyncadd.s32 $0xFFFFE700  }
0x228: {  	_ =	swait.ge [sflag:s11], $0x1900  }
0x229: {  	[sflag:s11] =	ssyncset.done $0x0  }
0x22a: {  	[sflag:s11] =	ssyncadd.s32 $0xFFFFE700  }
0x22b: {  	_ =	swait.ge [sflag:s11], $0x1900  }
0x22c: {  	[sflag:s11] =	ssyncset.done $0x0  }
0x22d: {  	[sflag:s11] =	ssyncadd.s32 $0xFFFFE700  }
0x22e: {  	_ =	swait.ge [sflag:s11], $0x1900  }
0x22f: {  	[sflag:s11] =	ssyncset.done $0x0  }
0x230: {  	s25 =	rddreg [dreg:$0x3];
	[sflag:s11] =	ssyncadd.s32 $0xFFFFE700  }
0x231: {  	[hbm4b:s25+s2] =	stream.linear.scatter [tilespmem:s2], [sflag:$0x1], $0x1900, $0x38;
	[tilespmem:$0x11800] =	vst v63  }
0x232: {  	s25 =	rddreg [dreg:$0x4]  }
0x233: {  	[hbm4b:s25+s2] =	stream.linear.scatter [tilespmem:s3], [sflag:$0x1], $0x1900, $0x38;
	[tilespmem:$0x11800] =	vst v63  }
0x234: {  	s25 =	rddreg [dreg:$0x5]  }
0x235: {  	[hbm4b:s25+s2] =	stream.linear.scatter [tilespmem:s4], [sflag:$0x1], $0x1900, $0x38;
	[tilespmem:$0x11800] =	vst v63  }
0x236: {  	s25 =	rddreg [dreg:$0x6]  }
0x237: {  	[hbm4b:s25+s2] =	stream.linear.scatter [tilespmem:s5], [sflag:$0x1], $0x1900, $0x38;
	[tilespmem:$0x11800] =	vst v63  }
0x238: {  	s25 =	rddreg [dreg:$0x7]  }
0x239: {  	[hbm4b:s25+s2] =	stream.linear.scatter [tilespmem:s6], [sflag:$0x1], $0x1900, $0x38;
	[tilespmem:$0x11800] =	vst v63  }
0x23a: {  	s25 =	rddreg [dreg:$0x8]  }
0x23b: {  	[hbm4b:s25+s2] =	stream.linear.scatter [tilespmem:s7], [sflag:$0x1], $0x1900, $0x38;
	[tilespmem:$0x11800] =	vst v63  }
0x23c: {  	s25 =	rddreg [dreg:$0x9]  }
0x23d: {  	[hbm4b:s25+s2] =	stream.linear.scatter [tilespmem:s8], [sflag:$0x1], $0x1900, $0x38;
	[tilespmem:$0x11800] =	vst v63  }
0x23e: {  	s25 =	rddreg [dreg:$0xa]  }
0x23f: {  	[hbm4b:s25+s2] =	stream.linear.scatter [tilespmem:s9], [sflag:$0x1], $0x1900, $0x38;
	[tilespmem:$0x11800] =	vst v63  }
0x240: {  	s25 =	rddreg [dreg:$0xb]  }
0x241: {  	[hbm4b:s25+s2] =	stream.linear.scatter [tilespmem:s10], [sflag:$0x1], $0x1900, $0x38;
	[tilespmem:$0x11800] =	vst v63  }
0x242: {  	s25 =	rddreg [dreg:$0xc]  }
0x243: {  	[hbm4b:s25+s2] =	stream.linear.scatter [tilespmem:s12], [sflag:$0x1], $0x1900, $0x38;
	[tilespmem:$0x11800] =	vst v63  }
0x244: {  	s25 =	rddreg [dreg:$0xd]  }
0x245: {  	[hbm4b:s25+s2] =	stream.linear.scatter [tilespmem:s2], [sflag:$0x1], $0x1900, $0x38;
	[tilespmem:$0x11800] =	vst v63  }
0x246: {  	s25 =	rddreg [dreg:$0xe]  }
0x247: {  	[hbm4b:s25+s2] =	stream.linear.scatter [tilespmem:s3], [sflag:$0x1], $0x1900, $0x38;
	[tilespmem:$0x11800] =	vst v63  }
0x248: {  	s25 =	rddreg [dreg:$0xf]  }
0x249: {  	[hbm4b:s25+s2] =	stream.linear.scatter [tilespmem:s4], [sflag:$0x1], $0x1900, $0x38;
	[tilespmem:$0x11800] =	vst v63  }
0x24a: {  	s25 =	rddreg [dreg:$0x10]  }
0x24b: {  	[hbm4b:s25+s2] =	stream.linear.scatter [tilespmem:s5], [sflag:$0x1], $0x1900, $0x38;
	[tilespmem:$0x11800] =	vst v63  }
0x24c: {  	s25 =	rddreg [dreg:$0x11]  }
0x24d: {  	[hbm4b:s25+s2] =	stream.linear.scatter [tilespmem:s6], [sflag:$0x1], $0x1900, $0x38;
	[tilespmem:$0x11800] =	vst v63  }
0x24e: {  	s25 =	rddreg [dreg:$0x12]  }
0x24f: {  	[hbm4b:s25+s2] =	stream.linear.scatter [tilespmem:s7], [sflag:$0x1], $0x1900, $0x38;
	[tilespmem:$0x11800] =	vst v63  }
0x250: {  	s25 =	rddreg [dreg:$0x13]  }
0x251: {  	[hbm4b:s25+s2] =	stream.linear.scatter [tilespmem:s8], [sflag:$0x1], $0x1900, $0x38;
	[tilespmem:$0x11800] =	vst v63  }
0x252: {  	s25 =	rddreg [dreg:$0x14]  }
0x253: {  	[hbm4b:s25+s2] =	stream.linear.scatter [tilespmem:s9], [sflag:$0x1], $0x1900, $0x38;
	[tilespmem:$0x11800] =	vst v63  }
0x254: {  	s25 =	rddreg [dreg:$0x15]  }
0x255: {  	[hbm4b:s25+s2] =	stream.linear.scatter [tilespmem:s10], [sflag:$0x1], $0x1900, $0x38;
	[tilespmem:$0x11800] =	vst v63  }
0x256: {  	s25 =	rddreg [dreg:$0x16]  }
0x257: {  	[hbm4b:s25+s2] =	stream.linear.scatter [tilespmem:s12], [sflag:$0x1], $0x1900, $0x38;
	[tilespmem:$0x11800] =	vst v63  }
0x258: {  	s25 =	rddreg [dreg:$0x17]  }
0x259: {  	[hbm4b:s25+s2] =	stream.linear.scatter [tilespmem:s2], [sflag:$0x1], $0x1900, $0x38;
	[tilespmem:$0x11800] =	vst v63  }
0x25a: {  	s25 =	rddreg [dreg:$0x18]  }
0x25b: {  	[hbm4b:s25+s2] =	stream.linear.scatter [tilespmem:s3], [sflag:$0x1], $0x1900, $0x38;
	[tilespmem:$0x11800] =	vst v63  }
0x25c: {  	s25 =	rddreg [dreg:$0x19]  }
0x25d: {  	[hbm4b:s25+s2] =	stream.linear.scatter [tilespmem:s4], [sflag:$0x1], $0x1900, $0x38;
	[tilespmem:$0x11800] =	vst v63  }
0x25e: {  	s25 =	rddreg [dreg:$0x1a]  }
0x25f: {  	[hbm4b:s25+s2] =	stream.linear.scatter [tilespmem:s5], [sflag:$0x1], $0x1900, $0x38;
	[tilespmem:$0x11800] =	vst v63  }
0x260: {  	s25 =	rddreg [dreg:$0x1b]  }
0x261: {  	[hbm4b:s25+s2] =	stream.linear.scatter [tilespmem:s6], [sflag:$0x1], $0x1900, $0x38;
	[tilespmem:$0x11800] =	vst v63  }
0x262: {  	s25 =	rddreg [dreg:$0x1c]  }
0x263: {  	[hbm4b:s25+s2] =	stream.linear.scatter [tilespmem:s7], [sflag:$0x1], $0x1900, $0x38;
	[tilespmem:$0x11800] =	vst v63  }
0x264: {  	s25 =	rddreg [dreg:$0x1d]  }
0x265: {  	[hbm4b:s25+s2] =	stream.linear.scatter [tilespmem:s8], [sflag:$0x1], $0x1900, $0x38;
	[tilespmem:$0x11800] =	vst v63  }
0x266: {  	s25 =	rddreg [dreg:$0x1e]  }
0x267: {  	[hbm4b:s25+s2] =	stream.linear.scatter [tilespmem:s9], [sflag:$0x1], $0x1900, $0x38;
	[tilespmem:$0x11800] =	vst v63  }
0x268: {  	s25 =	rddreg [dreg:$0x1f]  }
0x269: {  	[hbm4b:s25+s2] =	stream.linear.scatter [tilespmem:s10], [sflag:$0x1], $0x1900, $0x38;
	[tilespmem:$0x11800] =	vst v63  }
0x26a: {  	s25 =	sld [smem:$0x764];
	_ =	sdelay $0x2  }
0x26b: {  	[hbm4b:s25+s2] =	stream.linear.scatter [tilespmem:s12], [sflag:$0x1], $0x1900, $0x38;
	[tilespmem:$0x11800] =	vst v63  }
0x26c: {  	s25 =	sld [smem:$0x76D];
	_ =	sdelay $0x2  }
0x26d: {  	[hbm4b:s25+s2] =	stream.linear.scatter [tilespmem:s2], [sflag:$0x1], $0x1900, $0x38;
	[tilespmem:$0x11800] =	vst v63  }
0x26e: {  	s25 =	sld [smem:$0x765];
	_ =	sdelay $0x2  }
0x26f: {  	[hbm4b:s25+s2] =	stream.linear.scatter [tilespmem:s3], [sflag:$0x1], $0x1900, $0x38;
	[tilespmem:$0x11800] =	vst v63  }
0x270: {  	s25 =	sld [smem:$0x766];
	_ =	sdelay $0x2  }
0x271: {  	[hbm4b:s25+s2] =	stream.linear.scatter [tilespmem:s4], [sflag:$0x1], $0x1900, $0x38;
	[tilespmem:$0x11800] =	vst v63  }
0x272: {  	s25 =	sld [smem:$0x767];
	_ =	sdelay $0x2  }
0x273: {  	[hbm4b:s25+s2] =	stream.linear.scatter [tilespmem:s5], [sflag:$0x1], $0x1900, $0x38;
	[tilespmem:$0x11800] =	vst v63  }
0x274: {  	s25 =	sld [smem:$0x768];
	_ =	sdelay $0x2  }
0x275: {  	[hbm4b:s25+s2] =	stream.linear.scatter [tilespmem:s6], [sflag:$0x1], $0x1900, $0x38;
	[tilespmem:$0x11800] =	vst v63  }
0x276: {  	s25 =	sld [smem:$0x769];
	_ =	sdelay $0x2  }
0x277: {  	[hbm4b:s25+s2] =	stream.linear.scatter [tilespmem:s7], [sflag:$0x1], $0x1900, $0x38;
	[tilespmem:$0x11800] =	vst v63  }
0x278: {  	s25 =	sld [smem:$0x76A];
	_ =	sdelay $0x2  }
0x279: {  	[hbm4b:s25+s2] =	stream.linear.scatter [tilespmem:s8], [sflag:$0x1], $0x1900, $0x38;
	[tilespmem:$0x11800] =	vst v63  }
0x27a: {  	s25 =	sld [smem:$0x76B];
	_ =	sdelay $0x2  }
0x27b: {  	[hbm4b:s25+s2] =	stream.linear.scatter [tilespmem:s9], [sflag:$0x1], $0x1900, $0x38;
	[tilespmem:$0x11800] =	vst v63  }
0x27c: {  	s25 =	sld [smem:$0x76C];
	_ =	sdelay $0x2  }
0x27d: {  	[hbm4b:s25+s2] =	stream.linear.scatter [tilespmem:s10], [sflag:$0x1], $0x1900, $0x38;
	[tilespmem:$0x11800] =	vst v63  }
0x27e: {  	s25 =	sld [smem:$0x76E];
	_ =	sdelay $0x2  }
0x27f: {  	[hbm4b:s25+s2] =	stream.linear.scatter [tilespmem:s12], [sflag:$0x1], $0x1900, $0x38;
	[tilespmem:$0x11800] =	vst v63  }
0x280: {  	s25 =	sld [smem:$0x777];
	_ =	sdelay $0x2  }
0x281: {  	[hbm4b:s25+s2] =	stream.linear.scatter [tilespmem:s2], [sflag:$0x1], $0x1900, $0x38;
	[tilespmem:$0x11800] =	vst v63  }
0x282: {  	s25 =	sld [smem:$0x76F];
	_ =	sdelay $0x2  }
0x283: {  	[hbm4b:s25+s2] =	stream.linear.scatter [tilespmem:s3], [sflag:$0x1], $0x1900, $0x38;
	[tilespmem:$0x11800] =	vst v63  }
0x284: {  	s25 =	sld [smem:$0x770];
	_ =	sdelay $0x2  }
0x285: {  	[hbm4b:s25+s2] =	stream.linear.scatter [tilespmem:s4], [sflag:$0x1], $0x1900, $0x38;
	[tilespmem:$0x11800] =	vst v63  }
0x286: {  	s25 =	sld [smem:$0x771];
	_ =	sdelay $0x2  }
0x287: {  	[hbm4b:s25+s2] =	stream.linear.scatter [tilespmem:s5], [sflag:$0x1], $0x1900, $0x38;
	[tilespmem:$0x11800] =	vst v63  }
0x288: {  	s25 =	sld [smem:$0x772];
	_ =	sdelay $0x2  }
0x289: {  	[hbm4b:s25+s2] =	stream.linear.scatter [tilespmem:s6], [sflag:$0x1], $0x1900, $0x38;
	[tilespmem:$0x11800] =	vst v63  }
0x28a: {  	s25 =	sld [smem:$0x773];
	_ =	sdelay $0x2  }
0x28b: {  	[hbm4b:s25+s2] =	stream.linear.scatter [tilespmem:s7], [sflag:$0x1], $0x1900, $0x38;
	[tilespmem:$0x11800] =	vst v63  }
0x28c: {  	s25 =	sld [smem:$0x774];
	_ =	sdelay $0x2  }
0x28d: {  	[hbm4b:s25+s2] =	stream.linear.scatter [tilespmem:s8], [sflag:$0x1], $0x1900, $0x38;
	[tilespmem:$0x11800] =	vst v63  }
0x28e: {  	s25 =	sld [smem:$0x775];
	_ =	sdelay $0x2  }
0x28f: {  	[hbm4b:s25+s2] =	stream.linear.scatter [tilespmem:s9], [sflag:$0x1], $0x1900, $0x38;
	[tilespmem:$0x11800] =	vst v63  }
0x290: {  	s25 =	sld [smem:$0x776];
	_ =	sdelay $0x2  }
0x291: {  	[hbm4b:s25+s2] =	stream.linear.scatter [tilespmem:s10], [sflag:$0x1], $0x1900, $0x38;
	[tilespmem:$0x11800] =	vst v63  }
0x292: {  	s25 =	sld [smem:$0x778];
	_ =	sdelay $0x2  }
0x293: {  	[hbm4b:s25+s2] =	stream.linear.scatter [tilespmem:s12], [sflag:$0x1], $0x1900, $0x38;
	[tilespmem:$0x11800] =	vst v63  }
0x294: {  	s25 =	sld [smem:$0x781];
	_ =	sdelay $0x2  }
0x295: {  	[hbm4b:s25+s2] =	stream.linear.scatter [tilespmem:s2], [sflag:$0x1], $0x1900, $0x38;
	[tilespmem:$0x11800] =	vst v63  }
0x296: {  	s25 =	sld [smem:$0x779];
	_ =	sdelay $0x2  }
0x297: {  	[hbm4b:s25+s2] =	stream.linear.scatter [tilespmem:s3], [sflag:$0x1], $0x1900, $0x38;
	[tilespmem:$0x11800] =	vst v63  }
0x298: {  	s25 =	sld [smem:$0x77A];
	_ =	sdelay $0x2  }
0x299: {  	[hbm4b:s25+s2] =	stream.linear.scatter [tilespmem:s4], [sflag:$0x1], $0x1900, $0x38;
	[tilespmem:$0x11800] =	vst v63  }
0x29a: {  	s25 =	sld [smem:$0x77B];
	_ =	sdelay $0x2  }
0x29b: {  	[hbm4b:s25+s2] =	stream.linear.scatter [tilespmem:s5], [sflag:$0x1], $0x1900, $0x38;
	[tilespmem:$0x11800] =	vst v63  }
0x29c: {  	s25 =	sld [smem:$0x77C];
	_ =	sdelay $0x2  }
0x29d: {  	[hbm4b:s25+s2] =	stream.linear.scatter [tilespmem:s6], [sflag:$0x1], $0x1900, $0x38;
	[tilespmem:$0x11800] =	vst v63  }
0x29e: {  	s25 =	sld [smem:$0x77D];
	_ =	sdelay $0x2  }
0x29f: {  	[hbm4b:s25+s2] =	stream.linear.scatter [tilespmem:s7], [sflag:$0x1], $0x1900, $0x38;
	[tilespmem:$0x11800] =	vst v63  }
0x2a0: {  	s25 =	sld [smem:$0x77E];
	_ =	sdelay $0x2  }
0x2a1: {  	[hbm4b:s25+s2] =	stream.linear.scatter [tilespmem:s8], [sflag:$0x1], $0x1900, $0x38;
	[tilespmem:$0x11800] =	vst v63  }
0x2a2: {  	s25 =	sld [smem:$0x77F];
	_ =	sdelay $0x2  }
0x2a3: {  	[hbm4b:s25+s2] =	stream.linear.scatter [tilespmem:s9], [sflag:$0x1], $0x1900, $0x38;
	[tilespmem:$0x11800] =	vst v63  }
0x2a4: {  	s25 =	sld [smem:$0x780];
	_ =	sdelay $0x2  }
0x2a5: {  	[hbm4b:s25+s2] =	stream.linear.scatter [tilespmem:s10], [sflag:$0x1], $0x1900, $0x38;
	[tilespmem:$0x11800] =	vst v63  }
0x2a6: {  	s25 =	sld [smem:$0x782];
	_ =	sdelay $0x2  }
0x2a7: {  	[hbm4b:s25+s2] =	stream.linear.scatter [tilespmem:s12], [sflag:$0x1], $0x1900, $0x38;
	[tilespmem:$0x11800] =	vst v63  }
0x2a8: {  	s25 =	sld [smem:$0x78B];
	_ =	sdelay $0x2  }
0x2a9: {  	[hbm4b:s25+s2] =	stream.linear.scatter [tilespmem:s2], [sflag:$0x1], $0x1900, $0x38;
	[tilespmem:$0x11800] =	vst v63  }
0x2aa: {  	s25 =	sld [smem:$0x783];
	_ =	sdelay $0x2  }
0x2ab: {  	[hbm4b:s25+s2] =	stream.linear.scatter [tilespmem:s3], [sflag:$0x1], $0x1900, $0x38;
	[tilespmem:$0x11800] =	vst v63  }
0x2ac: {  	s25 =	sld [smem:$0x784];
	_ =	sdelay $0x2  }
0x2ad: {  	[hbm4b:s25+s2] =	stream.linear.scatter [tilespmem:s4], [sflag:$0x1], $0x1900, $0x38;
	[tilespmem:$0x11800] =	vst v63  }
0x2ae: {  	s25 =	sld [smem:$0x785];
	_ =	sdelay $0x2  }
0x2af: {  	[hbm4b:s25+s2] =	stream.linear.scatter [tilespmem:s5], [sflag:$0x1], $0x1900, $0x38;
	[tilespmem:$0x11800] =	vst v63  }
0x2b0: {  	s25 =	sld [smem:$0x786];
	_ =	sdelay $0x2  }
0x2b1: {  	[hbm4b:s25+s2] =	stream.linear.scatter [tilespmem:s6], [sflag:$0x1], $0x1900, $0x38;
	[tilespmem:$0x11800] =	vst v63  }
0x2b2: {  	s25 =	sld [smem:$0x787];
	_ =	sdelay $0x2  }
0x2b3: {  	[hbm4b:s25+s2] =	stream.linear.scatter [tilespmem:s7], [sflag:$0x1], $0x1900, $0x38;
	[tilespmem:$0x11800] =	vst v63  }
0x2b4: {  	s25 =	sld [smem:$0x788];
	_ =	sdelay $0x2  }
0x2b5: {  	[hbm4b:s25+s2] =	stream.linear.scatter [tilespmem:s8], [sflag:$0x1], $0x1900, $0x38;
	[tilespmem:$0x11800] =	vst v63  }
0x2b6: {  	s25 =	sld [smem:$0x789];
	_ =	sdelay $0x2  }
0x2b7: {  	[hbm4b:s25+s2] =	stream.linear.scatter [tilespmem:s9], [sflag:$0x1], $0x1900, $0x38;
	[tilespmem:$0x11800] =	vst v63  }
0x2b8: {  	s25 =	sld [smem:$0x78A];
	_ =	sdelay $0x2  }
0x2b9: {  	[hbm4b:s25+s2] =	stream.linear.scatter [tilespmem:s10], [sflag:$0x1], $0x1900, $0x38;
	[tilespmem:$0x11800] =	vst v63  }
0x2ba: {  	s25 =	sld [smem:$0x78C];
	_ =	sdelay $0x2  }
0x2bb: {  	[hbm4b:s25+s2] =	stream.linear.scatter [tilespmem:s12], [sflag:$0x1], $0x1900, $0x38;
	[tilespmem:$0x11800] =	vst v63  }
0x2bc: {  	s25 =	sld [smem:$0x795];
	_ =	sdelay $0x2  }
0x2bd: {  	[hbm4b:s25+s2] =	stream.linear.scatter [tilespmem:s2], [sflag:$0x1], $0x1900, $0x38;
	[tilespmem:$0x11800] =	vst v63  }
0x2be: {  	s25 =	sld [smem:$0x78D];
	_ =	sdelay $0x2  }
0x2bf: {  	[hbm4b:s25+s2] =	stream.linear.scatter [tilespmem:s3], [sflag:$0x1], $0x1900, $0x38;
	[tilespmem:$0x11800] =	vst v63  }
0x2c0: {  	s25 =	sld [smem:$0x78E];
	_ =	sdelay $0x2  }
0x2c1: {  	[hbm4b:s25+s2] =	stream.linear.scatter [tilespmem:s4], [sflag:$0x1], $0x1900, $0x38;
	[tilespmem:$0x11800] =	vst v63  }
0x2c2: {  	s25 =	sld [smem:$0x78F];
	_ =	sdelay $0x2  }
0x2c3: {  	[hbm4b:s25+s2] =	stream.linear.scatter [tilespmem:s5], [sflag:$0x1], $0x1900, $0x38;
	[tilespmem:$0x11800] =	vst v63  }
0x2c4: {  	s25 =	sld [smem:$0x790];
	_ =	sdelay $0x2  }
0x2c5: {  	[hbm4b:s25+s2] =	stream.linear.scatter [tilespmem:s6], [sflag:$0x1], $0x1900, $0x38;
	[tilespmem:$0x11800] =	vst v63  }
0x2c6: {  	s25 =	sld [smem:$0x791];
	_ =	sdelay $0x2  }
0x2c7: {  	[hbm4b:s25+s2] =	stream.linear.scatter [tilespmem:s7], [sflag:$0x1], $0x1900, $0x38;
	[tilespmem:$0x11800] =	vst v63  }
0x2c8: {  	s25 =	sld [smem:$0x792];
	_ =	sdelay $0x2  }
0x2c9: {  	[hbm4b:s25+s2] =	stream.linear.scatter [tilespmem:s8], [sflag:$0x1], $0x1900, $0x38;
	[tilespmem:$0x11800] =	vst v63  }
0x2ca: {  	s25 =	sld [smem:$0x793];
	_ =	sdelay $0x2  }
0x2cb: {  	[hbm4b:s25+s2] =	stream.linear.scatter [tilespmem:s9], [sflag:$0x1], $0x1900, $0x38;
	[tilespmem:$0x11800] =	vst v63  }
0x2cc: {  	s25 =	sld [smem:$0x794];
	_ =	sdelay $0x2  }
0x2cd: {  	[hbm4b:s25+s2] =	stream.linear.scatter [tilespmem:s10], [sflag:$0x1], $0x1900, $0x38;
	[tilespmem:$0x11800] =	vst v63  }
0x2ce: {  	s25 =	sld [smem:$0x796];
	_ =	sdelay $0x2  }
0x2cf: {  	[hbm4b:s25+s2] =	stream.linear.scatter [tilespmem:s12], [sflag:$0x1], $0x1900, $0x38;
	[tilespmem:$0x11800] =	vst v63  }
0x2d0: {  	s25 =	sld [smem:$0x79F];
	_ =	sdelay $0x2  }
0x2d1: {  	[hbm4b:s25+s2] =	stream.linear.scatter [tilespmem:s2], [sflag:$0x1], $0x1900, $0x38;
	[tilespmem:$0x11800] =	vst v63  }
0x2d2: {  	s25 =	sld [smem:$0x797];
	_ =	sdelay $0x2  }
0x2d3: {  	[hbm4b:s25+s2] =	stream.linear.scatter [tilespmem:s3], [sflag:$0x1], $0x1900, $0x38;
	[tilespmem:$0x11800] =	vst v63  }
0x2d4: {  	s25 =	sld [smem:$0x798];
	_ =	sdelay $0x2  }
0x2d5: {  	[hbm4b:s25+s2] =	stream.linear.scatter [tilespmem:s4], [sflag:$0x1], $0x1900, $0x38;
	[tilespmem:$0x11800] =	vst v63  }
0x2d6: {  	s25 =	sld [smem:$0x799];
	_ =	sdelay $0x2  }
0x2d7: {  	[hbm4b:s25+s2] =	stream.linear.scatter [tilespmem:s5], [sflag:$0x1], $0x1900, $0x38;
	[tilespmem:$0x11800] =	vst v63  }
0x2d8: {  	s25 =	sld [smem:$0x79A];
	_ =	sdelay $0x2  }
0x2d9: {  	[hbm4b:s25+s2] =	stream.linear.scatter [tilespmem:s6], [sflag:$0x1], $0x1900, $0x38;
	[tilespmem:$0x11800] =	vst v63  }
0x2da: {  	s25 =	sld [smem:$0x79B];
	_ =	sdelay $0x2  }
0x2db: {  	[hbm4b:s25+s2] =	stream.linear.scatter [tilespmem:s7], [sflag:$0x1], $0x1900, $0x38;
	[tilespmem:$0x11800] =	vst v63  }
0x2dc: {  	s25 =	sld [smem:$0x79C];
	_ =	sdelay $0x2  }
0x2dd: {  	[hbm4b:s25+s2] =	stream.linear.scatter [tilespmem:s8], [sflag:$0x1], $0x1900, $0x38;
	[tilespmem:$0x11800] =	vst v63  }
0x2de: {  	s25 =	sld [smem:$0x79D];
	_ =	sdelay $0x2  }
0x2df: {  	[hbm4b:s25+s2] =	stream.linear.scatter [tilespmem:s9], [sflag:$0x1], $0x1900, $0x38;
	[tilespmem:$0x11800] =	vst v63  }
0x2e0: {  	s25 =	sld [smem:$0x79E];
	_ =	sdelay $0x2  }
0x2e1: {  	[hbm4b:s25+s2] =	stream.linear.scatter [tilespmem:s10], [sflag:$0x1], $0x1900, $0x38;
	[tilespmem:$0x11800] =	vst v63  }
0x2e2: {  	s25 =	sld [smem:$0x7A0];
	_ =	sdelay $0x2  }
0x2e3: {  	[hbm4b:s25+s2] =	stream.linear.scatter [tilespmem:s12], [sflag:$0x1], $0x1900, $0x38;
	[tilespmem:$0x11800] =	vst v63  }
0x2e4: {  	s25 =	sld [smem:$0x7A9];
	_ =	sdelay $0x2  }
0x2e5: {  	[hbm4b:s25+s2] =	stream.linear.scatter [tilespmem:s2], [sflag:$0x1], $0x1900, $0x38;
	[tilespmem:$0x11800] =	vst v63  }
0x2e6: {  	s25 =	sld [smem:$0x7A1];
	_ =	sdelay $0x2  }
0x2e7: {  	[hbm4b:s25+s2] =	stream.linear.scatter [tilespmem:s3], [sflag:$0x1], $0x1900, $0x38;
	[tilespmem:$0x11800] =	vst v63  }
0x2e8: {  	s25 =	sld [smem:$0x7A2];
	_ =	sdelay $0x2  }
0x2e9: {  	[hbm4b:s25+s2] =	stream.linear.scatter [tilespmem:s4], [sflag:$0x1], $0x1900, $0x38;
	[tilespmem:$0x11800] =	vst v63  }
0x2ea: {  	s25 =	sld [smem:$0x7A3];
	_ =	sdelay $0x2  }
0x2eb: {  	[hbm4b:s25+s2] =	stream.linear.scatter [tilespmem:s5], [sflag:$0x1], $0x1900, $0x38;
	[tilespmem:$0x11800] =	vst v63  }
0x2ec: {  	s25 =	sld [smem:$0x7A4];
	_ =	sdelay $0x2  }
0x2ed: {  	[hbm4b:s25+s2] =	stream.linear.scatter [tilespmem:s6], [sflag:$0x1], $0x1900, $0x38;
	[tilespmem:$0x11800] =	vst v63  }
0x2ee: {  	s25 =	sld [smem:$0x7A5];
	_ =	sdelay $0x2  }
0x2ef: {  	[hbm4b:s25+s2] =	stream.linear.scatter [tilespmem:s7], [sflag:$0x1], $0x1900, $0x38;
	[tilespmem:$0x11800] =	vst v63  }
0x2f0: {  	s25 =	sld [smem:$0x7A6];
	_ =	sdelay $0x2  }
0x2f1: {  	[hbm4b:s25+s2] =	stream.linear.scatter [tilespmem:s8], [sflag:$0x1], $0x1900, $0x38;
	[tilespmem:$0x11800] =	vst v63  }
0x2f2: {  	s25 =	sld [smem:$0x7A7];
	_ =	sdelay $0x2  }
0x2f3: {  	[hbm4b:s25+s2] =	stream.linear.scatter [tilespmem:s9], [sflag:$0x1], $0x1900, $0x38;
	[tilespmem:$0x11800] =	vst v63  }
0x2f4: {  	s25 =	sld [smem:$0x7A8];
	_ =	sdelay $0x2  }
0x2f5: {  	[hbm4b:s25+s2] =	stream.linear.scatter [tilespmem:s10], [sflag:$0x1], $0x1900, $0x38;
	[tilespmem:$0x11800] =	vst v63  }
0x2f6: {  	s25 =	sld [smem:$0x7AA];
	_ =	sdelay $0x2  }
0x2f7: {  	[hbm4b:s25+s2] =	stream.linear.scatter [tilespmem:s12], [sflag:$0x1], $0x1900, $0x38;
	[tilespmem:$0x11800] =	vst v63  }
0x2f8: {  	s25 =	sld [smem:$0x7B3];
	_ =	sdelay $0x2  }
0x2f9: {  	[hbm4b:s25+s2] =	stream.linear.scatter [tilespmem:s2], [sflag:$0x1], $0x1900, $0x38;
	[tilespmem:$0x11800] =	vst v63  }
0x2fa: {  	s25 =	sld [smem:$0x7AB];
	_ =	sdelay $0x2  }
0x2fb: {  	[hbm4b:s25+s2] =	stream.linear.scatter [tilespmem:s3], [sflag:$0x1], $0x1900, $0x38;
	[tilespmem:$0x11800] =	vst v63  }
0x2fc: {  	s25 =	sld [smem:$0x7AC];
	_ =	sdelay $0x2  }
0x2fd: {  	[hbm4b:s25+s2] =	stream.linear.scatter [tilespmem:s4], [sflag:$0x1], $0x1900, $0x38;
	[tilespmem:$0x11800] =	vst v63  }
0x2fe: {  	s25 =	sld [smem:$0x7AD];
	_ =	sdelay $0x2  }
0x2ff: {  	[hbm4b:s25+s2] =	stream.linear.scatter [tilespmem:s5], [sflag:$0x1], $0x1900, $0x38;
	[tilespmem:$0x11800] =	vst v63  }
0x300: {  	s25 =	sld [smem:$0x7AE];
	_ =	sdelay $0x2  }
0x301: {  	[hbm4b:s25+s2] =	stream.linear.scatter [tilespmem:s6], [sflag:$0x1], $0x1900, $0x38;
	[tilespmem:$0x11800] =	vst v63  }
0x302: {  	s25 =	sld [smem:$0x7AF];
	_ =	sdelay $0x2  }
0x303: {  	[hbm4b:s25+s2] =	stream.linear.scatter [tilespmem:s7], [sflag:$0x1], $0x1900, $0x38;
	[tilespmem:$0x11800] =	vst v63  }
0x304: {  	s25 =	sld [smem:$0x7B0];
	_ =	sdelay $0x2  }
0x305: {  	[hbm4b:s25+s2] =	stream.linear.scatter [tilespmem:s8], [sflag:$0x1], $0x1900, $0x38;
	[tilespmem:$0x11800] =	vst v63  }
0x306: {  	s25 =	sld [smem:$0x7B1];
	_ =	sdelay $0x2  }
0x307: {  	[hbm4b:s25+s2] =	stream.linear.scatter [tilespmem:s9], [sflag:$0x1], $0x1900, $0x38;
	[tilespmem:$0x11800] =	vst v63  }
0x308: {  	s25 =	sld [smem:$0x7B2];
	_ =	sdelay $0x2  }
0x309: {  	[hbm4b:s25+s2] =	stream.linear.scatter [tilespmem:s10], [sflag:$0x1], $0x1900, $0x38;
	[tilespmem:$0x11800] =	vst v63  }
0x30a: {  	s25 =	sld [smem:$0x7B4];
	_ =	sdelay $0x2  }
0x30b: {  	[hbm4b:s25+s2] =	stream.linear.scatter [tilespmem:s12], [sflag:$0x1], $0x1900, $0x38;
	[tilespmem:$0x11800] =	vst v63  }
0x30c: {  	s25 =	sld [smem:$0x7BD];
	_ =	sdelay $0x2  }
0x30d: {  	[hbm4b:s25+s2] =	stream.linear.scatter [tilespmem:s2], [sflag:$0x1], $0x1900, $0x38;
	[tilespmem:$0x11800] =	vst v63  }
0x30e: {  	s25 =	sld [smem:$0x7B5];
	_ =	sdelay $0x2  }
0x30f: {  	[hbm4b:s25+s2] =	stream.linear.scatter [tilespmem:s3], [sflag:$0x1], $0x1900, $0x38;
	[tilespmem:$0x11800] =	vst v63  }
0x310: {  	s25 =	sld [smem:$0x7B6];
	_ =	sdelay $0x2  }
0x311: {  	[hbm4b:s25+s2] =	stream.linear.scatter [tilespmem:s4], [sflag:$0x1], $0x1900, $0x38;
	[tilespmem:$0x11800] =	vst v63  }
0x312: {  	s25 =	sld [smem:$0x7B7];
	_ =	sdelay $0x2  }
0x313: {  	[hbm4b:s25+s2] =	stream.linear.scatter [tilespmem:s5], [sflag:$0x1], $0x1900, $0x38;
	[tilespmem:$0x11800] =	vst v63  }
0x314: {  	s25 =	sld [smem:$0x7B8];
	_ =	sdelay $0x2  }
0x315: {  	[hbm4b:s25+s2] =	stream.linear.scatter [tilespmem:s6], [sflag:$0x1], $0x1900, $0x38;
	[tilespmem:$0x11800] =	vst v63  }
0x316: {  	s25 =	sld [smem:$0x7B9];
	_ =	sdelay $0x2  }
0x317: {  	[hbm4b:s25+s2] =	stream.linear.scatter [tilespmem:s7], [sflag:$0x1], $0x1900, $0x38;
	[tilespmem:$0x11800] =	vst v63  }
0x318: {  	s25 =	sld [smem:$0x7BA];
	_ =	sdelay $0x2  }
0x319: {  	[hbm4b:s25+s2] =	stream.linear.scatter [tilespmem:s8], [sflag:$0x1], $0x1900, $0x38;
	[tilespmem:$0x11800] =	vst v63  }
0x31a: {  	s25 =	sld [smem:$0x7BB];
	_ =	sdelay $0x2  }
0x31b: {  	[hbm4b:s25+s2] =	stream.linear.scatter [tilespmem:s9], [sflag:$0x1], $0x1900, $0x38;
	[tilespmem:$0x11800] =	vst v63  }
0x31c: {  	s25 =	sld [smem:$0x7BC];
	_ =	sdelay $0x2  }
0x31d: {  	[hbm4b:s25+s2] =	stream.linear.scatter [tilespmem:s10], [sflag:$0x1], $0x1900, $0x38;
	[tilespmem:$0x11800] =	vst v63  }
0x31e: {  	s25 =	sld [smem:$0x7BE];
	_ =	sdelay $0x2  }
0x31f: {  	[hbm4b:s25+s2] =	stream.linear.scatter [tilespmem:s12], [sflag:$0x1], $0x1900, $0x38;
	[tilespmem:$0x11800] =	vst v63  }
0x320: {  	s25 =	sld [smem:$0x7C7];
	_ =	sdelay $0x2  }
0x321: {  	[hbm4b:s25+s2] =	stream.linear.scatter [tilespmem:s2], [sflag:$0x1], $0x1900, $0x38;
	[tilespmem:$0x11800] =	vst v63  }
0x322: {  	s25 =	sld [smem:$0x7BF];
	_ =	sdelay $0x2  }
0x323: {  	[hbm4b:s25+s2] =	stream.linear.scatter [tilespmem:s3], [sflag:$0x1], $0x1900, $0x38;
	[tilespmem:$0x11800] =	vst v63  }
0x324: {  	s25 =	sld [smem:$0x7C0];
	_ =	sdelay $0x2  }
0x325: {  	[hbm4b:s25+s2] =	stream.linear.scatter [tilespmem:s4], [sflag:$0x1], $0x1900, $0x38;
	[tilespmem:$0x11800] =	vst v63  }
0x326: {  	s25 =	sld [smem:$0x7C1];
	_ =	sdelay $0x2  }
0x327: {  	[hbm4b:s25+s2] =	stream.linear.scatter [tilespmem:s5], [sflag:$0x1], $0x1900, $0x38;
	[tilespmem:$0x11800] =	vst v63  }
0x328: {  	s25 =	sld [smem:$0x7C2];
	_ =	sdelay $0x2  }
0x329: {  	[hbm4b:s25+s2] =	stream.linear.scatter [tilespmem:s6], [sflag:$0x1], $0x1900, $0x38;
	[tilespmem:$0x11800] =	vst v63  }
0x32a: {  	s25 =	sld [smem:$0x7C3];
	_ =	sdelay $0x2  }
0x32b: {  	[hbm4b:s25+s2] =	stream.linear.scatter [tilespmem:s7], [sflag:$0x1], $0x1900, $0x38;
	[tilespmem:$0x11800] =	vst v63  }
0x32c: {  	s25 =	sld [smem:$0x7C4];
	_ =	sdelay $0x2  }
0x32d: {  	[hbm4b:s25+s2] =	stream.linear.scatter [tilespmem:s8], [sflag:$0x1], $0x1900, $0x38;
	[tilespmem:$0x11800] =	vst v63  }
0x32e: {  	s25 =	sld [smem:$0x7C5];
	_ =	sdelay $0x2  }
0x32f: {  	[hbm4b:s25+s2] =	stream.linear.scatter [tilespmem:s9], [sflag:$0x1], $0x1900, $0x38;
	[tilespmem:$0x11800] =	vst v63  }
0x330: {  	s25 =	sld [smem:$0x7C6];
	_ =	sdelay $0x2  }
0x331: {  	[hbm4b:s25+s2] =	stream.linear.scatter [tilespmem:s10], [sflag:$0x1], $0x1900, $0x38;
	[tilespmem:$0x11800] =	vst v63  }
0x332: {  	s25 =	sld [smem:$0x7C8];
	_ =	sdelay $0x2  }
0x333: {  	[hbm4b:s25+s2] =	stream.linear.scatter [tilespmem:s12], [sflag:$0x1], $0x1900, $0x38;
	[tilespmem:$0x11800] =	vst v63  }
0x334: {  	s25 =	sld [smem:$0x7D1];
	_ =	sdelay $0x2  }
0x335: {  	[hbm4b:s25+s2] =	stream.linear.scatter [tilespmem:s2], [sflag:$0x1], $0x1900, $0x38;
	[tilespmem:$0x11800] =	vst v63  }
0x336: {  	s25 =	sld [smem:$0x7C9];
	_ =	sdelay $0x2  }
0x337: {  	[hbm4b:s25+s2] =	stream.linear.scatter [tilespmem:s3], [sflag:$0x1], $0x1900, $0x38;
	[tilespmem:$0x11800] =	vst v63  }
0x338: {  	s25 =	sld [smem:$0x7CA];
	_ =	sdelay $0x2  }
0x339: {  	[hbm4b:s25+s2] =	stream.linear.scatter [tilespmem:s4], [sflag:$0x1], $0x1900, $0x38;
	[tilespmem:$0x11800] =	vst v63  }
0x33a: {  	s25 =	sld [smem:$0x7CB];
	_ =	sdelay $0x2  }
0x33b: {  	[hbm4b:s25+s2] =	stream.linear.scatter [tilespmem:s5], [sflag:$0x1], $0x1900, $0x38;
	[tilespmem:$0x11800] =	vst v63  }
0x33c: {  	s25 =	sld [smem:$0x7CC];
	_ =	sdelay $0x2  }
0x33d: {  	[hbm4b:s25+s2] =	stream.linear.scatter [tilespmem:s6], [sflag:$0x1], $0x1900, $0x38;
	[tilespmem:$0x11800] =	vst v63  }
0x33e: {  	s25 =	sld [smem:$0x7CD];
	_ =	sdelay $0x2  }
0x33f: {  	[hbm4b:s25+s2] =	stream.linear.scatter [tilespmem:s7], [sflag:$0x1], $0x1900, $0x38;
	[tilespmem:$0x11800] =	vst v63  }
0x340: {  	s25 =	sld [smem:$0x7CE];
	_ =	sdelay $0x2  }
0x341: {  	[hbm4b:s25+s2] =	stream.linear.scatter [tilespmem:s8], [sflag:$0x1], $0x1900, $0x38;
	[tilespmem:$0x11800] =	vst v63  }
0x342: {  	s25 =	sld [smem:$0x7CF];
	_ =	sdelay $0x2  }
0x343: {  	[hbm4b:s25+s2] =	stream.linear.scatter [tilespmem:s9], [sflag:$0x1], $0x1900, $0x38;
	[tilespmem:$0x11800] =	vst v63  }
0x344: {  	s25 =	sld [smem:$0x7D0];
	_ =	sdelay $0x2  }
0x345: {  	[hbm4b:s25+s2] =	stream.linear.scatter [tilespmem:s10], [sflag:$0x1], $0x1900, $0x38;
	[tilespmem:$0x11800] =	vst v63  }
0x346: {  	s25 =	sld [smem:$0x7D2];
	_ =	sdelay $0x2  }
0x347: {  	[hbm4b:s25+s2] =	stream.linear.scatter [tilespmem:s12], [sflag:$0x1], $0x1900, $0x38;
	[tilespmem:$0x11800] =	vst v63  }
0x348: {  	s25 =	sld [smem:$0x7DB];
	_ =	sdelay $0x2  }
0x349: {  	[hbm4b:s25+s2] =	stream.linear.scatter [tilespmem:s2], [sflag:$0x1], $0x1900, $0x38;
	[tilespmem:$0x11800] =	vst v63  }
0x34a: {  	s25 =	sld [smem:$0x7D3];
	_ =	sdelay $0x2  }
0x34b: {  	[hbm4b:s25+s2] =	stream.linear.scatter [tilespmem:s3], [sflag:$0x1], $0x1900, $0x38;
	[tilespmem:$0x11800] =	vst v63  }
0x34c: {  	s25 =	sld [smem:$0x7D4];
	_ =	sdelay $0x2  }
0x34d: {  	[hbm4b:s25+s2] =	stream.linear.scatter [tilespmem:s4], [sflag:$0x1], $0x1900, $0x38;
	[tilespmem:$0x11800] =	vst v63  }
0x34e: {  	s25 =	sld [smem:$0x7D5];
	_ =	sdelay $0x2  }
0x34f: {  	[hbm4b:s25+s2] =	stream.linear.scatter [tilespmem:s5], [sflag:$0x1], $0x1900, $0x38;
	[tilespmem:$0x11800] =	vst v63  }
0x350: {  	s25 =	sld [smem:$0x7D6];
	_ =	sdelay $0x2  }
0x351: {  	[hbm4b:s25+s2] =	stream.linear.scatter [tilespmem:s6], [sflag:$0x1], $0x1900, $0x38;
	[tilespmem:$0x11800] =	vst v63  }
0x352: {  	s25 =	sld [smem:$0x7D7];
	_ =	sdelay $0x2  }
0x353: {  	[hbm4b:s25+s2] =	stream.linear.scatter [tilespmem:s7], [sflag:$0x1], $0x1900, $0x38;
	[tilespmem:$0x11800] =	vst v63  }
0x354: {  	s25 =	sld [smem:$0x7D8];
	_ =	sdelay $0x2  }
0x355: {  	[hbm4b:s25+s2] =	stream.linear.scatter [tilespmem:s8], [sflag:$0x1], $0x1900, $0x38;
	[tilespmem:$0x11800] =	vst v63  }
0x356: {  	s25 =	sld [smem:$0x7D9];
	_ =	sdelay $0x2  }
0x357: {  	[hbm4b:s25+s2] =	stream.linear.scatter [tilespmem:s9], [sflag:$0x1], $0x1900, $0x38;
	[tilespmem:$0x11800] =	vst v63  }
0x358: {  	s25 =	sld [smem:$0x7DA];
	_ =	sdelay $0x2  }
0x359: {  	[hbm4b:s25+s2] =	stream.linear.scatter [tilespmem:s10], [sflag:$0x1], $0x1900, $0x38;
	[tilespmem:$0x11800] =	vst v63  }
0x35a: {  	s25 =	sld [smem:$0x7DC];
	_ =	sdelay $0x2  }
0x35b: {  	[hbm4b:s25+s2] =	stream.linear.scatter [tilespmem:s12], [sflag:$0x1], $0x1900, $0x38;
	[tilespmem:$0x11800] =	vst v63  }
0x35c: {  	s25 =	sld [smem:$0x7E5];
	_ =	sdelay $0x2  }
0x35d: {  	[hbm4b:s25+s2] =	stream.linear.scatter [tilespmem:s2], [sflag:$0x1], $0x1900, $0x38;
	[tilespmem:$0x11800] =	vst v63  }
0x35e: {  	s25 =	sld [smem:$0x7DD];
	_ =	sdelay $0x2  }
0x35f: {  	[hbm4b:s25+s2] =	stream.linear.scatter [tilespmem:s3], [sflag:$0x1], $0x1900, $0x38;
	[tilespmem:$0x11800] =	vst v63  }
0x360: {  	s25 =	sld [smem:$0x7DE];
	_ =	sdelay $0x2  }
0x361: {  	[hbm4b:s25+s2] =	stream.linear.scatter [tilespmem:s4], [sflag:$0x1], $0x1900, $0x38;
	[tilespmem:$0x11800] =	vst v63  }
0x362: {  	s25 =	sld [smem:$0x7DF];
	_ =	sdelay $0x2  }
0x363: {  	[hbm4b:s25+s2] =	stream.linear.scatter [tilespmem:s5], [sflag:$0x1], $0x1900, $0x38;
	[tilespmem:$0x11800] =	vst v63  }
0x364: {  	s25 =	sld [smem:$0x7E0];
	_ =	sdelay $0x2  }
0x365: {  	[hbm4b:s25+s2] =	stream.linear.scatter [tilespmem:s6], [sflag:$0x1], $0x1900, $0x38;
	[tilespmem:$0x11800] =	vst v63  }
0x366: {  	s25 =	sld [smem:$0x7E1];
	_ =	sdelay $0x2  }
0x367: {  	[hbm4b:s25+s2] =	stream.linear.scatter [tilespmem:s7], [sflag:$0x1], $0x1900, $0x38;
	[tilespmem:$0x11800] =	vst v63  }
0x368: {  	s25 =	sld [smem:$0x7E2];
	_ =	sdelay $0x2  }
0x369: {  	[hbm4b:s25+s2] =	stream.linear.scatter [tilespmem:s8], [sflag:$0x1], $0x1900, $0x38;
	[tilespmem:$0x11800] =	vst v63  }
0x36a: {  	s25 =	sld [smem:$0x7E3];
	_ =	sdelay $0x2  }
0x36b: {  	[hbm4b:s25+s2] =	stream.linear.scatter [tilespmem:s9], [sflag:$0x1], $0x1900, $0x38;
	[tilespmem:$0x11800] =	vst v63  }
0x36c: {  	s25 =	sld [smem:$0x7E4];
	_ =	sdelay $0x2  }
0x36d: {  	[hbm4b:s25+s2] =	stream.linear.scatter [tilespmem:s10], [sflag:$0x1], $0x1900, $0x38;
	[tilespmem:$0x11800] =	vst v63  }
0x36e: {  	s25 =	sld [smem:$0x7E6];
	_ =	sdelay $0x2  }
0x36f: {  	[hbm4b:s25+s2] =	stream.linear.scatter [tilespmem:s12], [sflag:$0x1], $0x1900, $0x38;
	[tilespmem:$0x11800] =	vst v63  }
0x370: {  	s25 =	sld [smem:$0x7EF];
	_ =	sdelay $0x2  }
0x371: {  	[hbm4b:s25+s2] =	stream.linear.scatter [tilespmem:s2], [sflag:$0x1], $0x1900, $0x38;
	[tilespmem:$0x11800] =	vst v63  }
0x372: {  	s25 =	sld [smem:$0x7E7];
	_ =	sdelay $0x2  }
0x373: {  	[hbm4b:s25+s2] =	stream.linear.scatter [tilespmem:s3], [sflag:$0x1], $0x1900, $0x38;
	[tilespmem:$0x11800] =	vst v63  }
0x374: {  	s25 =	sld [smem:$0x7E8];
	_ =	sdelay $0x2  }
0x375: {  	[hbm4b:s25+s2] =	stream.linear.scatter [tilespmem:s4], [sflag:$0x1], $0x1900, $0x38;
	[tilespmem:$0x11800] =	vst v63  }
0x376: {  	s25 =	sld [smem:$0x7E9];
	_ =	sdelay $0x2  }
0x377: {  	[hbm4b:s25+s2] =	stream.linear.scatter [tilespmem:s5], [sflag:$0x1], $0x1900, $0x38;
	[tilespmem:$0x11800] =	vst v63  }
0x378: {  	s25 =	sld [smem:$0x7EA];
	_ =	sdelay $0x2  }
0x379: {  	[hbm4b:s25+s2] =	stream.linear.scatter [tilespmem:s6], [sflag:$0x1], $0x1900, $0x38;
	[tilespmem:$0x11800] =	vst v63  }
0x37a: {  	s25 =	sld [smem:$0x7EB];
	_ =	sdelay $0x2  }
0x37b: {  	[hbm4b:s25+s2] =	stream.linear.scatter [tilespmem:s7], [sflag:$0x1], $0x1900, $0x38;
	[tilespmem:$0x11800] =	vst v63  }
0x37c: {  	s25 =	sld [smem:$0x7EC];
	_ =	sdelay $0x2  }
0x37d: {  	[hbm4b:s25+s2] =	stream.linear.scatter [tilespmem:s8], [sflag:$0x1], $0x1900, $0x38;
	[tilespmem:$0x11800] =	vst v63  }
0x37e: {  	s25 =	sld [smem:$0x7ED];
	_ =	sdelay $0x2  }
0x37f: {  	[hbm4b:s25+s2] =	stream.linear.scatter [tilespmem:s9], [sflag:$0x1], $0x1900, $0x38;
	[tilespmem:$0x11800] =	vst v63  }
0x380: {  	s25 =	sld [smem:$0x7EE];
	_ =	sdelay $0x2  }
0x381: {  	[hbm4b:s25+s2] =	stream.linear.scatter [tilespmem:s10], [sflag:$0x1], $0x1900, $0x38;
	[tilespmem:$0x11800] =	vst v63  }
0x382: {  	s25 =	sld [smem:$0x7F0];
	_ =	sdelay $0x2  }
0x383: {  	[hbm4b:s25+s2] =	stream.linear.scatter [tilespmem:s12], [sflag:$0x1], $0x1900, $0x38;
	[tilespmem:$0x11800] =	vst v63  }
0x384: {  	s25 =	sld [smem:$0x7F9];
	_ =	sdelay $0x2  }
0x385: {  	[hbm4b:s25+s2] =	stream.linear.scatter [tilespmem:s2], [sflag:$0x1], $0x1900, $0x38;
	[tilespmem:$0x11800] =	vst v63  }
0x386: {  	s25 =	sld [smem:$0x7F1];
	_ =	sdelay $0x2  }
0x387: {  	[hbm4b:s25+s2] =	stream.linear.scatter [tilespmem:s3], [sflag:$0x1], $0x1900, $0x38;
	[tilespmem:$0x11800] =	vst v63  }
0x388: {  	s25 =	sld [smem:$0x7F2];
	_ =	sdelay $0x2  }
0x389: {  	[hbm4b:s25+s2] =	stream.linear.scatter [tilespmem:s4], [sflag:$0x1], $0x1900, $0x38;
	[tilespmem:$0x11800] =	vst v63  }
0x38a: {  	s25 =	sld [smem:$0x7F3];
	_ =	sdelay $0x2  }
0x38b: {  	[hbm4b:s25+s2] =	stream.linear.scatter [tilespmem:s5], [sflag:$0x1], $0x1900, $0x38;
	[tilespmem:$0x11800] =	vst v63  }
0x38c: {  	s25 =	sld [smem:$0x7F4];
	_ =	sdelay $0x2  }
0x38d: {  	[hbm4b:s25+s2] =	stream.linear.scatter [tilespmem:s6], [sflag:$0x1], $0x1900, $0x38;
	[tilespmem:$0x11800] =	vst v63  }
0x38e: {  	s25 =	sld [smem:$0x7F5];
	_ =	sdelay $0x2  }
0x38f: {  	[hbm4b:s25+s2] =	stream.linear.scatter [tilespmem:s7], [sflag:$0x1], $0x1900, $0x38;
	[tilespmem:$0x11800] =	vst v63  }
0x390: {  	s25 =	sld [smem:$0x7F6];
	_ =	sdelay $0x2  }
0x391: {  	[hbm4b:s25+s2] =	stream.linear.scatter [tilespmem:s8], [sflag:$0x1], $0x1900, $0x38;
	[tilespmem:$0x11800] =	vst v63  }
0x392: {  	s25 =	sld [smem:$0x7F7];
	_ =	sdelay $0x2  }
0x393: {  	[hbm4b:s25+s2] =	stream.linear.scatter [tilespmem:s9], [sflag:$0x1], $0x1900, $0x38;
	[tilespmem:$0x11800] =	vst v63  }
0x394: {  	s25 =	sld [smem:$0x7F8];
	_ =	sdelay $0x2  }
0x395: {  	[hbm4b:s25+s2] =	stream.linear.scatter [tilespmem:s10], [sflag:$0x1], $0x1900, $0x38;
	[tilespmem:$0x11800] =	vst v63  }
0x396: {  	s25 =	sld [smem:$0x7FA];
	_ =	sdelay $0x2  }
0x397: {  	[hbm4b:s25+s2] =	stream.linear.scatter [tilespmem:s12], [sflag:$0x1], $0x1900, $0x38;
	[tilespmem:$0x11800] =	vst v63  }
0x398: {  	s25 =	sld [smem:$0x7FB]  }
0x399: {  	[hbm4b:s0+s2] =	stream.linear.scatter [tilespmem:s2], [sflag:$0x1], $0x1900, $0x38;
	[tilespmem:$0x11800] =	vst v63  }
0x39a: {  	_ = 	snop  }
0x39b: {  	[hbm4b:s25+s2] =	stream.linear.scatter [tilespmem:s3], [sflag:$0x1], $0x1900, $0x38;
	[tilespmem:$0x11800] =	vst v63  }
0x39c: {  	s25 =	sld [smem:$0x7FC];
	_ =	sdelay $0x2  }
0x39d: {  	[hbm4b:s25+s2] =	stream.linear.scatter [tilespmem:s4], [sflag:$0x1], $0x1900, $0x38;
	[tilespmem:$0x11800] =	vst v63  }
0x39e: {  	s25 =	sld [smem:$0x7FD];
	_ =	sdelay $0x2  }
0x39f: {  	[hbm4b:s25+s2] =	stream.linear.scatter [tilespmem:s5], [sflag:$0x1], $0x1900, $0x38;
	[tilespmem:$0x11800] =	vst v63  }
0x3a0: {  	_ = 	snop  }
0x3a1: {  	[hbm4b:s13+s2] =	stream.linear.scatter [tilespmem:s6], [sflag:$0x1], $0x1900, $0x38;
	[tilespmem:$0x11800] =	vst v63  }
0x3a2: {  	_ = 	snop  }
0x3a3: {  	[hbm4b:s28+s2] =	stream.linear.scatter [tilespmem:s7], [sflag:$0x1], $0x1900, $0x38;
	[tilespmem:$0x11800] =	vst v63  }
0x3a4: {  	_ = 	snop  }
0x3a5: {  	[hbm4b:s15+s2] =	stream.linear.scatter [tilespmem:s8], [sflag:$0x1], $0x1900, $0x38;
	[tilespmem:$0x11800] =	vst v63  }
0x3a6: {  	_ = 	snop  }
0x3a7: {  	[hbm4b:s31+s2] =	stream.linear.scatter [tilespmem:s9], [sflag:$0x1], $0x1900, $0x38;
	[tilespmem:$0x11800] =	vst v63  }
0x3a8: {  	_ = 	snop  }
0x3a9: {  	[hbm4b:s29+s2] =	stream.linear.scatter [tilespmem:s10], [sflag:$0x1], $0x1900, $0x38;
	[tilespmem:$0x11800] =	vst v63  }
0x3aa: {  	_ = 	snop  }
0x3ab: {  	[hbm4b:s24+s2] =	stream.linear.scatter [tilespmem:s12], [sflag:$0x1], $0x1900, $0x38;
	[tilespmem:$0x11800] =	vst v63  }
0x3ac: {  	_ = 	snop  }
0x3ad: {  	[hbm4b:s19+s2] =	stream.linear.scatter [tilespmem:s2], [sflag:$0x1], $0x1900, $0x38;
	[tilespmem:$0x11800] =	vst v63  }
0x3ae: {  	_ = 	snop  }
0x3af: {  	[hbm4b:s26+s2] =	stream.linear.scatter [tilespmem:s3], [sflag:$0x1], $0x1900, $0x38;
	[tilespmem:$0x11800] =	vst v63  }
0x3b0: {  	_ = 	snop  }
0x3b1: {  	[hbm4b:s20+s2] =	stream.linear.scatter [tilespmem:s4], [sflag:$0x1], $0x1900, $0x38;
	[tilespmem:$0x11800] =	vst v63  }
0x3b2: {  	_ = 	snop  }
0x3b3: {  	[hbm4b:s17+s2] =	stream.linear.scatter [tilespmem:s5], [sflag:$0x1], $0x1900, $0x38;
	[tilespmem:$0x11800] =	vst v63  }
0x3b4: {  	_ = 	snop  }
0x3b5: {  	[hbm4b:s21+s2] =	stream.linear.scatter [tilespmem:s6], [sflag:$0x1], $0x1900, $0x38;
	[tilespmem:$0x11800] =	vst v63  }
0x3b6: {  	_ = 	snop  }
0x3b7: {  	[hbm4b:s22+s2] =	stream.linear.scatter [tilespmem:s7], [sflag:$0x1], $0x1900, $0x38;
	[tilespmem:$0x11800] =	vst v63  }
0x3b8: {  	_ = 	snop  }
0x3b9: {  	[hbm4b:s23+s2] =	stream.linear.scatter [tilespmem:s8], [sflag:$0x1], $0x1900, $0x38;
	[tilespmem:$0x11800] =	vst v63  }
0x3ba: {  	_ = 	snop  }
0x3bb: {  	[hbm4b:s18+s2] =	stream.linear.scatter [tilespmem:s9], [sflag:$0x1], $0x1900, $0x38;
	[tilespmem:$0x11800] =	vst v63  }
0x3bc: {  	_ = 	snop  }
0x3bd: {  	[hbm4b:s14+s2] =	stream.linear.scatter [tilespmem:s10], [sflag:$0x1], $0x1900, $0x38;
	[tilespmem:$0x11800] =	vst v63  }
0x3be: {  	_ = 	snop  }
0x3bf: {  	[hbm4b:s16+s2] =	stream.linear.scatter [tilespmem:s12], [sflag:$0x1], $0x1900, $0x38;
	[tilespmem:$0x11800] =	vst v63  }
0x3c0: {  	_ =	swait.ge [sflag:s11], $0xFA00  }
0x3c1: {  	[sflag:s11] =	ssyncset.done $0x0  }
0x3c2: {  	[sflag:s11] =	ssyncadd.s32 $0xFFFF0600  }
0x3c3: {  	_ =	swait.ge [sflag:s11], $0xFA00  }
0x3c4: {  	[sflag:s11] =	ssyncset.done $0x0  }
0x3c5: {  	[sflag:s11] =	ssyncadd.s32 $0xFFFF0600  }
0x3c6: {  	_ =	swait.ge [sflag:s11], $0xFA00  }
0x3c7: {  	[sflag:s11] =	ssyncset.done $0x0  }
0x3c8: {  	[sflag:s11] =	ssyncadd.s32 $0xFFFF0600  }
0x3c9: {  	_ =	swait.ge [sflag:s11], $0xFA00  }
0x3ca: {  	[sflag:s11] =	ssyncset.done $0x0  }
0x3cb: {  	[sflag:s11] =	ssyncadd.s32 $0xFFFF0600  }
0x3cc: {  	_ =	swait.ge [sflag:s11], $0xFA00  }
0x3cd: {  	[sflag:s11] =	ssyncset.done $0x0  }
0x3ce: {  	[sflag:s11] =	ssyncadd.s32 $0xFFFF0600  }
0x3cf: {  	_ =	swait.ge [sflag:s11], $0xFA00  }
0x3d0: {  	[sflag:s11] =	ssyncset.done $0x0  }
0x3d1: {  	[sflag:s11] =	ssyncadd.s32 $0xFFFF0600  }
0x3d2: {  	_ =	swait.ge [sflag:s11], $0xFA00  }
0x3d3: {  	[sflag:s11] =	ssyncset.done $0x0  }
0x3d4: {  	[sflag:s11] =	ssyncadd.s32 $0xFFFF0600  }
0x3d5: {  	_ =	swait.ge [sflag:s11], $0xFA00  }
0x3d6: {  	[sflag:s11] =	ssyncset.done $0x0  }
0x3d7: {  	[sflag:s11] =	ssyncadd.s32 $0xFFFF0600  }
0x3d8: {  	_ =	swait.ge [sflag:s11], $0xFA00  }
0x3d9: {  	[sflag:s11] =	ssyncset.done $0x0  }
0x3da: {  	[sflag:s11] =	ssyncadd.s32 $0xFFFF0600  }
0x3db: {  	_ =	swait.ge [sflag:s11], $0xFA00  }
0x3dc: {  	[sflag:s11] =	ssyncset.done $0x0  }
0x3dd: {  	[sflag:s11] =	ssyncadd.s32 $0xFFFF0600  }
0x3de: {  	_ =	swait.ge [sflag:s11], $0xFA00  }
0x3df: {  	[sflag:s11] =	ssyncset.done $0x0  }
0x3e0: {  	[sflag:s11] =	ssyncadd.s32 $0xFFFF0600  }
0x3e1: {  	_ =	swait.ge [sflag:s11], $0xFA00  }
0x3e2: {  	[sflag:s11] =	ssyncset.done $0x0  }
0x3e3: {  	[sflag:s11] =	ssyncadd.s32 $0xFFFF0600  }
0x3e4: {  	_ =	swait.ge [sflag:s11], $0xFA00  }
0x3e5: {  	[sflag:s11] =	ssyncset.done $0x0  }
0x3e6: {  	[sflag:s11] =	ssyncadd.s32 $0xFFFF0600  }
0x3e7: {  	_ =	swait.ge [sflag:s11], $0xFA00  }
0x3e8: {  	[sflag:s11] =	ssyncset.done $0x0  }
0x3e9: {  	[sflag:s11] =	ssyncadd.s32 $0xFFFF0600  }
0x3ea: {  	_ =	swait.ge [sflag:s11], $0xFA00  }
0x3eb: {  	[sflag:s11] =	ssyncset.done $0x0  }
0x3ec: {  	[sflag:s11] =	ssyncadd.s32 $0xFFFF0600  }
0x3ed: {  	_ =	swait.ge [sflag:s11], $0xFA00  }
0x3ee: {  	[sflag:s11] =	ssyncset.done $0x0  }
0x3ef: {  	[sflag:s11] =	ssyncadd.s32 $0xFFFF0600  }
0x3f0: {  	_ =	swait.ge [sflag:s11], $0xFA00  }
0x3f1: {  	[sflag:s11] =	ssyncset.done $0x0  }
0x3f2: {  	[sflag:s11] =	ssyncadd.s32 $0xFFFF0600  }
0x3f3: {  	_ =	swait.ge [sflag:s11], $0xFA00  }
0x3f4: {  	[sflag:s11] =	ssyncset.done $0x0  }
0x3f5: {  	p0 =	sne.s32 s30, $0x1;
	[sflag:s11] =	ssyncadd.s32 $0xFFFF0600  }
.Ltmp1:
0x3f6: {  	_ =	swait.ge [sflag:s11], $0xFA00;
	(pc) =	sbr.rel @p0 .LBB2_1-.Ltmp1, $4  }
0x3f7: {  	[sflag:s11] =	ssyncset.done $0x0  }
0x3f8: {  	[sflag:s11] =	ssyncadd.s32 $0xFFFF0600  }
0x3f9: {  	_ =	swait.ge [sflag:s11], $0xFA00  }
0x3fa: {  	s30 =	sadd.s32 $0xFFFFFFFF, s30;
	[sflag:s11] =	ssyncset.done $0x0  }
.LBB2_2:
0x3fb: {  	[sflag:s11] =	ssyncadd.s32 $0xFFFF0600  }
0x3fc: {  	_ =	sfence.sel $0x180000  }
0x3fd: {  	[bflag:$0x0] =	sbarrier.arrive $0xFFFF  }
0x3fe: {  	_ =	strace $0x90000047  }
0x3ff: {  	s0 =	stileid.u32;
	[bflag:$0x2] =	sbarrier.arrive $0xFFFF  }
0x400: {  	p0 =	sne.s32 s0, $0x0;
	s0 =	rddreg [dreg:$0x2]  }
0x401: {  	s0 =	sadd.s32 @!p0 $0x100000, s0  }
0x402: {  	[sflag:s0] =	ssyncadd.tile.s32 @!p0 $0x1;
	_ =	shalt  }
.Lfunc_end2:
_tile_overlayer_lowered:
.L_overlay_start_2:
0x403: {  	(tag) =	ssettag $0x2  }
0x404: {  	s0 =	rddreg [dreg:$0x0];
	s2 =	stileid.u32  }
0x405: {  	s1 =	rddreg [dreg:$0x1];
	p0 =	sne.s32 s2, $0x0  }
0x406: {  	s3 =	rddreg [dreg:$0x2];
	[bflag:$0x3] =	sbarrier.arrive $0xFFFF;
	s2 =	simm.s32 @!p0 $0x1C02  }
0x407: {  	[timem:s3], [sflag:s2] =	dma.local @!p0 [hbm:s0], s1  }
0x408: {  	s0 =	simm.s32 @!p0 $0x2  }
0x409: {  	_ =	swait.ge @!p0 [sflag:s0], s1  }
0x40a: {  	s1 =	ssub.s32 @!p0 $0x0, s1;
	[sflag:s0] =	ssyncset.done @!p0 $0x0  }
0x40b: {  	[sflag:s0] =	ssyncadd.s32 @!p0 s1  }
0x40c: {  	[bflag:$0x3] =	sbarrier.arrive $0xFFFF  }
0x40d: {  	_ =	shalt  }

</sc_bundles>
